<compile_context>
chip_gen: v7x
topology: tpu7x:2x2x1
jax: 0.10.2.dev20260603
libtpu: 0.0.44.dev20260713+nightly
codegen_flags: <defaults>
</compile_context>

<pallas_src>
import functools

import jax
import jax.numpy as jnp
from jax import lax
from jax.experimental import pallas as pl
from jax.experimental.pallas import tpu as pltpu
from jax.experimental.pallas import tpu_sc as plsc

N = 100000
D = 128
C = 400
NC = 2
NS = 16
NW = NC * NS
NUM_CHUNKS = N // C
KMAX = (NUM_CHUNKS + NW - 1) // NW
RG = 8


def _lane_gather(v, idx):
  dnums = lax.GatherDimensionNumbers(
      offset_dims=(), collapsed_slice_dims=(0,), start_index_map=(0,))
  return lax.gather(v, idx[:, None], dnums, (1,),
                    mode=lax.GatherScatterMode.PROMISE_IN_BOUNDS)


def _body(xf_hbm, wp_hbm, out_hbm,
          xin_a, xin_b, wt_v, out_a, out_b,
          sem_ia, sem_ib, sem_oa, sem_ob):
  cid = lax.axis_index("c")
  sid = lax.axis_index("s")
  wid = sid * NC + cid

  pltpu.sync_copy(wp_hbm, wt_v)

  bufs = ((xin_a, out_a, sem_ia, sem_oa),
          (xin_b, out_b, sem_ib, sem_ob))
  lane = lax.iota(jnp.int32, 16)
  lane15 = lane == (16 - 1)
  ge = (2 * lane) % 16
  go = (2 * lane + 1) % 16
  w0 = [wt_v[0, pl.ds(c * 16, 16)] for c in range(D // 16)]
  w1 = [wt_v[1, pl.ds(c * 16, 16)] for c in range(D // 16)]

  def start_in(k):
    xin, _, si, _ = bufs[k % 2]
    base = (k * NW + wid) * C
    pltpu.async_copy(xf_hbm.at[pl.ds(2 * base, 2 * C)], xin, si)

  def wait_in(k):
    xin, _, si, _ = bufs[k % 2]
    pltpu.make_async_copy(xf_hbm.at[pl.ds(0, 2 * C)], xin, si).wait()

  def wait_out(p):
    _, o, _, so = bufs[p]
    pltpu.make_async_copy(o, out_hbm.at[pl.ds(0, C), :], so).wait()

  def fill_and_send(k):
    xin, o, _, so = bufs[k % 2]
    base = (k * NW + wid) * C

    @functools.partial(plsc.parallel_loop, 0, C // RG)
    def row_group(j):
      r0 = j * RG
      src = xin[pl.ds(2 * r0, 16)]
      fvec = _lane_gather(src, ge)
      xvec = _lane_gather(src, go)
      for u in range(RG):
        r = r0 + u
        m = jnp.full((16,), fvec[u]) != 0.0
        for c in range(D // 16 - 1):
          o[r, pl.ds(c * 16, 16)] = jnp.where(m, w1[c], w0[c])
        tail = jnp.where(m, w1[D // 16 - 1], w0[D // 16 - 1])
        xb = jnp.full((16,), xvec[u], jnp.float32)
        o[r, pl.ds(D - 16, 16)] = jnp.where(lane15, xb, tail)

    pltpu.async_copy(o, out_hbm.at[pl.ds(base, C), :], so)

  start_in(0)
  for k in range(KMAX):
    def step(k=k):
      if k + 1 < KMAX:
        if (k + 1) * NW + NW - 1 < NUM_CHUNKS:
          start_in(k + 1)
        else:
          pl.when((k + 1) * NW + wid < NUM_CHUNKS)(lambda: start_in(k + 1))
      wait_in(k)
      if k >= 2:
        wait_out(k % 2)
      fill_and_send(k)
    if k * NW + NW - 1 < NUM_CHUNKS:
      step()
    else:
      pl.when(k * NW + wid < NUM_CHUNKS)(step)
  wait_out(0)
  wait_out(1)


@jax.jit
def kernel(x, W):
  xf = x.reshape(2 * N)
  wp = jnp.pad(W, ((0, 0), (0, 1)))
  mesh = plsc.VectorSubcoreMesh(
      core_axis_name="c", subcore_axis_name="s", num_cores=NC,
      num_subcores=NS)
  run = pl.kernel(
      _body,
      out_type=jax.ShapeDtypeStruct((N, D), jnp.float32),
      mesh=mesh,
      compiler_params=pltpu.CompilerParams(
          use_tc_tiling_on_sc=False, needs_layout_passes=False),
      scratch_types=[
          pltpu.VMEM((2 * C,), jnp.float32),
          pltpu.VMEM((2 * C,), jnp.float32),
          pltpu.VMEM((2, D), jnp.float32),
          pltpu.VMEM((C, D), jnp.float32),
          pltpu.VMEM((C, D), jnp.float32),
          pltpu.SemaphoreType.DMA,
          pltpu.SemaphoreType.DMA,
          pltpu.SemaphoreType.DMA,
          pltpu.SemaphoreType.DMA,
      ],
  )
  return run(xf, wp)

# --- scband reference (transcript-rebuilt; emitter-appended) ---
"""Pipeline reference for scband-graph-property-node-encoder-14267881357890 (READ-ONLY COPY).

The authoritative reference and input builder live on the scoring server;
editing this copy changes nothing except your own understanding.
"""

import jax, jax.numpy as jnp
import numpy as np

N = 100000
HIDDEN_DIM = 128

def setup_inputs(seed: int = 0) -> dict:
    key = jax.random.key(seed)
    k1, k2, k3 = jax.random.split(key, 3)
    # column 0: binary flag stored as float (cast to int inside forward)
    x0 = jax.random.randint(k1, (N,), 0, 2).astype(jnp.float32)
    # column 1: scalar graph property
    x1 = jax.random.uniform(k2, (N,), dtype=jnp.float32)
    x = jnp.stack([x0, x1], axis=-1)
    # embedding table: Embedding(2, hidden_dim - 1)
    W = jax.random.normal(k3, (2, HIDDEN_DIM - 1), dtype=jnp.float32)
    return {"x": x, "W": W}

def reference(x, W):
    idx = x[:, 0].astype(jnp.int32)
    emb = jnp.take(W, idx, axis=0)
    return jnp.concatenate([emb, x[:, 1:2]], axis=-1)

if __name__ == "__main__":
    import jax
    _d = setup_inputs()
    print(jax.jit(kernel)(*tuple(_d.values())))

</pallas_src>

<mosaic_0001>
#map = affine_map<(d0, d1) -> (0)>
#map1 = affine_map<(d0, d1) -> (0, 0)>
module attributes {stable_mosaic.version = 14 : i64} {
  func.func @_body(%arg0: i32, %arg1: i32, %arg2: memref<200000xf32, #tpu.memory_space<hbm>>, %arg3: memref<2x128xf32, #tpu.memory_space<hbm>>, %arg4: memref<100000x128xf32, #tpu.memory_space<hbm>>, %arg5: memref<800xf32, #tpu.memory_space<vmem>>, %arg6: memref<800xf32, #tpu.memory_space<vmem>>, %arg7: memref<2x128xf32, #tpu.memory_space<vmem>>, %arg8: memref<400x128xf32, #tpu.memory_space<vmem>>, %arg9: memref<400x128xf32, #tpu.memory_space<vmem>>, %arg10: memref<!tpu.dma_semaphore, #tpu.memory_space<semaphore_mem>>, %arg11: memref<!tpu.dma_semaphore, #tpu.memory_space<semaphore_mem>>, %arg12: memref<!tpu.dma_semaphore, #tpu.memory_space<semaphore_mem>>, %arg13: memref<!tpu.dma_semaphore, #tpu.memory_space<semaphore_mem>>) attributes {dimension_semantics = [#tpu.dimension_semantics<core_parallel>, #tpu.dimension_semantics<subcore_parallel>], iteration_bounds = array<i64: 2, 16>, scalar_prefetch = 0 : i64, scratch_operands = 9 : i64, tpu.core_type = #tpu.core_type<sc_vector_subcore>, window_params = [{transform_indices = #map}, {transform_indices = #map1}, {transform_indices = #map1}]} {
    %mul3A = arith.constant 2 : i32
    %mul3A_0 = arith.muli %arg1, %mul3A : i32
    %add3A = arith.addi %mul3A_0, %arg0 : i32
    "tpu.region"() ({
      %run_scoped3A = tpu.sem_alloc : memref<!tpu.dma_semaphore, #tpu.memory_space<semaphore_mem>>
      tpu.enqueue_dma source(%arg3 : memref<2x128xf32, #tpu.memory_space<hbm>>) target(%arg7 : memref<2x128xf32, #tpu.memory_space<vmem>>) target_semaphore(%run_scoped3A : memref<!tpu.dma_semaphore, #tpu.memory_space<semaphore_mem>>)
      tpu.wait_dma2 semaphore(%run_scoped3A : memref<!tpu.dma_semaphore, #tpu.memory_space<semaphore_mem>>) src(%arg3 : memref<2x128xf32, #tpu.memory_space<hbm>>) dst(%arg7 : memref<2x128xf32, #tpu.memory_space<vmem>>)
      tpu.yield
    }) : () -> ()
    %iota3A = tpu.iota {dimensions = array<i32: 0>} : vector<16xi32>
    %eq3A = arith.constant 15 : i32
    %eq3A_1 = vector.broadcast %eq3A : i32 to vector<16xi32>
    %eq3A_2 = arith.cmpi eq, %iota3A, %eq3A_1 : vector<16xi32>
    %mul3A_3 = arith.constant 2 : i32
    %mul3A_4 = vector.broadcast %mul3A_3 : i32 to vector<16xi32>
    %mul3A_5 = arith.muli %mul3A_4, %iota3A : vector<16xi32>
    %jit3A = arith.constant 16 : i32
    %eq3A_6 = arith.constant 0 : i32
    %eq3A_7 = arith.cmpi eq, %jit3A, %eq3A_6 : i32
    %jit3A_8 = arith.constant 1 : i32
    %select_n3A = arith.select %eq3A_7, %jit3A_8, %jit3A : i32
    %rem3A = vector.broadcast %select_n3A : i32 to vector<16xi32>
    %rem3A_9 = arith.remsi %mul3A_5, %rem3A : vector<16xi32>
    %ne3A = arith.constant 0 : i32
    %ne3A_10 = vector.broadcast %ne3A : i32 to vector<16xi32>
    %ne3A_11 = arith.cmpi ne, %rem3A_9, %ne3A_10 : vector<16xi32>
    %lt3A = arith.constant 0 : i32
    %lt3A_12 = vector.broadcast %lt3A : i32 to vector<16xi32>
    %lt3A_13 = arith.cmpi slt, %rem3A_9, %lt3A_12 : vector<16xi32>
    %lt3A_14 = arith.constant 0 : i32
    %lt3A_15 = arith.cmpi slt, %select_n3A, %lt3A_14 : i32
    %ne3A_16 = vector.broadcast %lt3A_15 : i1 to vector<16xi1>
    %ne3A_17 = vector.broadcast %ne3A_16 : vector<16xi1> to vector<16xi1>
    %ne3A_18 = arith.xori %lt3A_13, %ne3A_17 : vector<16xi1>
    %and3A = arith.andi %ne3A_18, %ne3A_11 : vector<16xi1>
    %add3A_19 = vector.broadcast %select_n3A : i32 to vector<16xi32>
    %add3A_20 = arith.addi %rem3A_9, %add3A_19 : vector<16xi32>
    %select_n3A_21 = arith.select %and3A, %add3A_20, %rem3A_9 : vector<16xi1>, vector<16xi32>
    %mul3A_22 = arith.constant 2 : i32
    %mul3A_23 = vector.broadcast %mul3A_22 : i32 to vector<16xi32>
    %mul3A_24 = arith.muli %mul3A_23, %iota3A : vector<16xi32>
    %add3A_25 = arith.constant 1 : i32
    %add3A_26 = vector.broadcast %add3A_25 : i32 to vector<16xi32>
    %add3A_27 = arith.addi %mul3A_24, %add3A_26 : vector<16xi32>
    %jit3A_28 = arith.constant 16 : i32
    %eq3A_29 = arith.constant 0 : i32
    %eq3A_30 = arith.cmpi eq, %jit3A_28, %eq3A_29 : i32
    %jit3A_31 = arith.constant 1 : i32
    %select_n3A_32 = arith.select %eq3A_30, %jit3A_31, %jit3A_28 : i32
    %rem3A_33 = vector.broadcast %select_n3A_32 : i32 to vector<16xi32>
    %rem3A_34 = arith.remsi %add3A_27, %rem3A_33 : vector<16xi32>
    %ne3A_35 = arith.constant 0 : i32
    %ne3A_36 = vector.broadcast %ne3A_35 : i32 to vector<16xi32>
    %ne3A_37 = arith.cmpi ne, %rem3A_34, %ne3A_36 : vector<16xi32>
    %lt3A_38 = arith.constant 0 : i32
    %lt3A_39 = vector.broadcast %lt3A_38 : i32 to vector<16xi32>
    %lt3A_40 = arith.cmpi slt, %rem3A_34, %lt3A_39 : vector<16xi32>
    %lt3A_41 = arith.constant 0 : i32
    %lt3A_42 = arith.cmpi slt, %select_n3A_32, %lt3A_41 : i32
    %ne3A_43 = vector.broadcast %lt3A_42 : i1 to vector<16xi1>
    %ne3A_44 = vector.broadcast %ne3A_43 : vector<16xi1> to vector<16xi1>
    %ne3A_45 = arith.xori %lt3A_40, %ne3A_44 : vector<16xi1>
    %and3A_46 = arith.andi %ne3A_45, %ne3A_37 : vector<16xi1>
    %add3A_47 = vector.broadcast %select_n3A_32 : i32 to vector<16xi32>
    %add3A_48 = arith.addi %rem3A_34, %add3A_47 : vector<16xi32>
    %select_n3A_49 = arith.select %and3A_46, %add3A_48, %rem3A_34 : vector<16xi1>, vector<16xi32>
    %get3A = arith.constant 0 : i32
    %get3A_50 = arith.index_cast %get3A : i32 to index
    %get3A_51 = arith.constant 0 : index
    %get3A_52 = tpu.vector_load %arg7[%get3A_50, %get3A_51] {strides = array<i32>} : memref<2x128xf32, #tpu.memory_space<vmem>>, vector<16xf32>,
    %get3A_53 = arith.constant 0 : i32
    %get3A_54 = arith.index_cast %get3A_53 : i32 to index
    %get3A_55 = arith.constant 16 : index
    %get3A_56 = tpu.vector_load %arg7[%get3A_54, %get3A_55] {strides = array<i32>} : memref<2x128xf32, #tpu.memory_space<vmem>>, vector<16xf32>,
    %get3A_57 = arith.constant 0 : i32
    %get3A_58 = arith.index_cast %get3A_57 : i32 to index
    %get3A_59 = arith.constant 32 : index
    %get3A_60 = tpu.vector_load %arg7[%get3A_58, %get3A_59] {strides = array<i32>} : memref<2x128xf32, #tpu.memory_space<vmem>>, vector<16xf32>,
    %get3A_61 = arith.constant 0 : i32
    %get3A_62 = arith.index_cast %get3A_61 : i32 to index
    %get3A_63 = arith.constant 48 : index
    %get3A_64 = tpu.vector_load %arg7[%get3A_62, %get3A_63] {strides = array<i32>} : memref<2x128xf32, #tpu.memory_space<vmem>>, vector<16xf32>,
    %get3A_65 = arith.constant 0 : i32
    %get3A_66 = arith.index_cast %get3A_65 : i32 to index
    %get3A_67 = arith.constant 64 : index
    %get3A_68 = tpu.vector_load %arg7[%get3A_66, %get3A_67] {strides = array<i32>} : memref<2x128xf32, #tpu.memory_space<vmem>>, vector<16xf32>,
    %get3A_69 = arith.constant 0 : i32
    %get3A_70 = arith.index_cast %get3A_69 : i32 to index
    %get3A_71 = arith.constant 80 : index
    %get3A_72 = tpu.vector_load %arg7[%get3A_70, %get3A_71] {strides = array<i32>} : memref<2x128xf32, #tpu.memory_space<vmem>>, vector<16xf32>,
    %get3A_73 = arith.constant 0 : i32
    %get3A_74 = arith.index_cast %get3A_73 : i32 to index
    %get3A_75 = arith.constant 96 : index
    %get3A_76 = tpu.vector_load %arg7[%get3A_74, %get3A_75] {strides = array<i32>} : memref<2x128xf32, #tpu.memory_space<vmem>>, vector<16xf32>,
    %get3A_77 = arith.constant 0 : i32
    %get3A_78 = arith.index_cast %get3A_77 : i32 to index
    %get3A_79 = arith.constant 112 : index
    %get3A_80 = tpu.vector_load %arg7[%get3A_78, %get3A_79] {strides = array<i32>} : memref<2x128xf32, #tpu.memory_space<vmem>>, vector<16xf32>,
    %get3A_81 = arith.constant 1 : i32
    %get3A_82 = arith.index_cast %get3A_81 : i32 to index
    %get3A_83 = arith.constant 0 : index
    %get3A_84 = tpu.vector_load %arg7[%get3A_82, %get3A_83] {strides = array<i32>} : memref<2x128xf32, #tpu.memory_space<vmem>>, vector<16xf32>,
    %get3A_85 = arith.constant 1 : i32
    %get3A_86 = arith.index_cast %get3A_85 : i32 to index
    %get3A_87 = arith.constant 16 : index
    %get3A_88 = tpu.vector_load %arg7[%get3A_86, %get3A_87] {strides = array<i32>} : memref<2x128xf32, #tpu.memory_space<vmem>>, vector<16xf32>,
    %get3A_89 = arith.constant 1 : i32
    %get3A_90 = arith.index_cast %get3A_89 : i32 to index
    %get3A_91 = arith.constant 32 : index
    %get3A_92 = tpu.vector_load %arg7[%get3A_90, %get3A_91] {strides = array<i32>} : memref<2x128xf32, #tpu.memory_space<vmem>>, vector<16xf32>,
    %get3A_93 = arith.constant 1 : i32
    %get3A_94 = arith.index_cast %get3A_93 : i32 to index
    %get3A_95 = arith.constant 48 : index
    %get3A_96 = tpu.vector_load %arg7[%get3A_94, %get3A_95] {strides = array<i32>} : memref<2x128xf32, #tpu.memory_space<vmem>>, vector<16xf32>,
    %get3A_97 = arith.constant 1 : i32
    %get3A_98 = arith.index_cast %get3A_97 : i32 to index
    %get3A_99 = arith.constant 64 : index
    %get3A_100 = tpu.vector_load %arg7[%get3A_98, %get3A_99] {strides = array<i32>} : memref<2x128xf32, #tpu.memory_space<vmem>>, vector<16xf32>,
    %get3A_101 = arith.constant 1 : i32
    %get3A_102 = arith.index_cast %get3A_101 : i32 to index
    %get3A_103 = arith.constant 80 : index
    %get3A_104 = tpu.vector_load %arg7[%get3A_102, %get3A_103] {strides = array<i32>} : memref<2x128xf32, #tpu.memory_space<vmem>>, vector<16xf32>,
    %get3A_105 = arith.constant 1 : i32
    %get3A_106 = arith.index_cast %get3A_105 : i32 to index
    %get3A_107 = arith.constant 96 : index
    %get3A_108 = tpu.vector_load %arg7[%get3A_106, %get3A_107] {strides = array<i32>} : memref<2x128xf32, #tpu.memory_space<vmem>>, vector<16xf32>,
    %get3A_109 = arith.constant 1 : i32
    %get3A_110 = arith.index_cast %get3A_109 : i32 to index
    %get3A_111 = arith.constant 112 : index
    %get3A_112 = tpu.vector_load %arg7[%get3A_110, %get3A_111] {strides = array<i32>} : memref<2x128xf32, #tpu.memory_space<vmem>>, vector<16xf32>,
    %add3A_113 = arith.constant 0 : i32
    %add3A_114 = arith.addi %add3A_113, %add3A : i32
    %mul3A_115 = arith.constant 400 : i32
    %mul3A_116 = arith.muli %add3A_114, %mul3A_115 : i32
    %mul3A_117 = arith.constant 2 : i32
    %mul3A_118 = arith.muli %mul3A_117, %mul3A_116 : i32
    %dma_start3A = tpu.memref_slice %arg2[%mul3A_118] : memref<200000xf32, #tpu.memory_space<hbm>> -> memref<800xf32, #tpu.memory_space<hbm>>
    %dma_start3A_119 = tpu.memref_slice %arg2[%mul3A_118] : memref<200000xf32, #tpu.memory_space<hbm>> -> memref<800xf32, #tpu.memory_space<hbm>>
    tpu.enqueue_dma source(%dma_start3A_119 : memref<800xf32, #tpu.memory_space<hbm>>) target(%arg5 : memref<800xf32, #tpu.memory_space<vmem>>) target_semaphore(%arg10 : memref<!tpu.dma_semaphore, #tpu.memory_space<semaphore_mem>>)
    %add3A_120 = arith.constant 32 : i32
    %add3A_121 = arith.addi %add3A_120, %add3A : i32
    %mul3A_122 = arith.constant 400 : i32
    %mul3A_123 = arith.muli %add3A_121, %mul3A_122 : i32
    %mul3A_124 = arith.constant 2 : i32
    %mul3A_125 = arith.muli %mul3A_124, %mul3A_123 : i32
    %dma_start3A_126 = tpu.memref_slice %arg2[%mul3A_125] : memref<200000xf32, #tpu.memory_space<hbm>> -> memref<800xf32, #tpu.memory_space<hbm>>
    %dma_start3A_127 = tpu.memref_slice %arg2[%mul3A_125] : memref<200000xf32, #tpu.memory_space<hbm>> -> memref<800xf32, #tpu.memory_space<hbm>>
    tpu.enqueue_dma source(%dma_start3A_127 : memref<800xf32, #tpu.memory_space<hbm>>) target(%arg6 : memref<800xf32, #tpu.memory_space<vmem>>) target_semaphore(%arg11 : memref<!tpu.dma_semaphore, #tpu.memory_space<semaphore_mem>>)
    %dma_wait3A = arith.constant 0 : i32
    %dma_wait3A_128 = tpu.memref_slice %arg2[%dma_wait3A] : memref<200000xf32, #tpu.memory_space<hbm>> -> memref<800xf32, #tpu.memory_space<hbm>>
    %dma_wait3A_129 = arith.constant 0 : i32
    %dma_wait3A_130 = tpu.memref_slice %arg2[%dma_wait3A_129] : memref<200000xf32, #tpu.memory_space<hbm>> -> memref<800xf32, #tpu.memory_space<hbm>>
    tpu.wait_dma2 semaphore(%arg10 : memref<!tpu.dma_semaphore, #tpu.memory_space<semaphore_mem>>) src(%dma_wait3A_130 : memref<800xf32, #tpu.memory_space<hbm>>) dst(%arg5 : memref<800xf32, #tpu.memory_space<vmem>>)
    %add3A_131 = arith.constant 0 : i32
    %add3A_132 = arith.addi %add3A_131, %add3A : i32
    %mul3A_133 = arith.constant 400 : i32
    %mul3A_134 = arith.muli %add3A_132, %mul3A_133 : i32
    %dma_start3A_135 = arith.constant 0 : i32
    %dma_start3A_136 = tpu.memref_slice %arg4[%mul3A_134, %dma_start3A_135] : memref<100000x128xf32, #tpu.memory_space<hbm>> -> memref<400x128xf32, #tpu.memory_space<hbm>>
    %dma_start3A_137 = arith.constant 0 : i32
    %dma_start3A_138 = tpu.memref_slice %arg4[%mul3A_134, %dma_start3A_137] : memref<100000x128xf32, #tpu.memory_space<hbm>> -> memref<400x128xf32, #tpu.memory_space<hbm>>
    tpu.enqueue_dma source(%arg8 : memref<400x128xf32, #tpu.memory_space<vmem>>) target(%dma_start3A_138 : memref<400x128xf32, #tpu.memory_space<hbm>>) target_semaphore(%arg12 : memref<!tpu.dma_semaphore, #tpu.memory_space<semaphore_mem>>)
    %add3A_139 = arith.constant 64 : i32
    %add3A_140 = arith.addi %add3A_139, %add3A : i32
    %mul3A_141 = arith.constant 400 : i32
    %mul3A_142 = arith.muli %add3A_140, %mul3A_141 : i32
    %mul3A_143 = arith.constant 2 : i32
    %mul3A_144 = arith.muli %mul3A_143, %mul3A_142 : i32
    %dma_start3A_145 = tpu.memref_slice %arg2[%mul3A_144] : memref<200000xf32, #tpu.memory_space<hbm>> -> memref<800xf32, #tpu.memory_space<hbm>>
    %dma_start3A_146 = tpu.memref_slice %arg2[%mul3A_144] : memref<200000xf32, #tpu.memory_space<hbm>> -> memref<800xf32, #tpu.memory_space<hbm>>
    tpu.enqueue_dma source(%dma_start3A_146 : memref<800xf32, #tpu.memory_space<hbm>>) target(%arg5 : memref<800xf32, #tpu.memory_space<vmem>>) target_semaphore(%arg10 : memref<!tpu.dma_semaphore, #tpu.memory_space<semaphore_mem>>)
    %dma_wait3A_147 = arith.constant 0 : i32
    %dma_wait3A_148 = tpu.memref_slice %arg2[%dma_wait3A_147] : memref<200000xf32, #tpu.memory_space<hbm>> -> memref<800xf32, #tpu.memory_space<hbm>>
    %dma_wait3A_149 = arith.constant 0 : i32
    %dma_wait3A_150 = tpu.memref_slice %arg2[%dma_wait3A_149] : memref<200000xf32, #tpu.memory_space<hbm>> -> memref<800xf32, #tpu.memory_space<hbm>>
    tpu.wait_dma2 semaphore(%arg11 : memref<!tpu.dma_semaphore, #tpu.memory_space<semaphore_mem>>) src(%dma_wait3A_150 : memref<800xf32, #tpu.memory_space<hbm>>) dst(%arg6 : memref<800xf32, #tpu.memory_space<vmem>>)
    %add3A_151 = arith.constant 32 : i32
    %add3A_152 = arith.addi %add3A_151, %add3A : i32
    %mul3A_153 = arith.constant 400 : i32
    %mul3A_154 = arith.muli %add3A_152, %mul3A_153 : i32
    %dma_start3A_155 = arith.constant 0 : i32
    %dma_start3A_156 = tpu.memref_slice %arg4[%mul3A_154, %dma_start3A_155] : memref<100000x128xf32, #tpu.memory_space<hbm>> -> memref<400x128xf32, #tpu.memory_space<hbm>>
    %dma_start3A_157 = arith.constant 0 : i32
    %dma_start3A_158 = tpu.memref_slice %arg4[%mul3A_154, %dma_start3A_157] : memref<100000x128xf32, #tpu.memory_space<hbm>> -> memref<400x128xf32, #tpu.memory_space<hbm>>
    tpu.enqueue_dma source(%arg9 : memref<400x128xf32, #tpu.memory_space<vmem>>) target(%dma_start3A_158 : memref<400x128xf32, #tpu.memory_space<hbm>>) target_semaphore(%arg13 : memref<!tpu.dma_semaphore, #tpu.memory_space<semaphore_mem>>)
    %add3A_159 = arith.constant 96 : i32
    %add3A_160 = arith.addi %add3A_159, %add3A : i32
    %mul3A_161 = arith.constant 400 : i32
    %mul3A_162 = arith.muli %add3A_160, %mul3A_161 : i32
    %mul3A_163 = arith.constant 2 : i32
    %mul3A_164 = arith.muli %mul3A_163, %mul3A_162 : i32
    %dma_start3A_165 = tpu.memref_slice %arg2[%mul3A_164] : memref<200000xf32, #tpu.memory_space<hbm>> -> memref<800xf32, #tpu.memory_space<hbm>>
    %dma_start3A_166 = tpu.memref_slice %arg2[%mul3A_164] : memref<200000xf32, #tpu.memory_space<hbm>> -> memref<800xf32, #tpu.memory_space<hbm>>
    tpu.enqueue_dma source(%dma_start3A_166 : memref<800xf32, #tpu.memory_space<hbm>>) target(%arg6 : memref<800xf32, #tpu.memory_space<vmem>>) target_semaphore(%arg11 : memref<!tpu.dma_semaphore, #tpu.memory_space<semaphore_mem>>)
    %dma_wait3A_167 = arith.constant 0 : i32
    %dma_wait3A_168 = tpu.memref_slice %arg2[%dma_wait3A_167] : memref<200000xf32, #tpu.memory_space<hbm>> -> memref<800xf32, #tpu.memory_space<hbm>>
    %dma_wait3A_169 = arith.constant 0 : i32
    %dma_wait3A_170 = tpu.memref_slice %arg2[%dma_wait3A_169] : memref<200000xf32, #tpu.memory_space<hbm>> -> memref<800xf32, #tpu.memory_space<hbm>>
    tpu.wait_dma2 semaphore(%arg10 : memref<!tpu.dma_semaphore, #tpu.memory_space<semaphore_mem>>) src(%dma_wait3A_170 : memref<800xf32, #tpu.memory_space<hbm>>) dst(%arg5 : memref<800xf32, #tpu.memory_space<vmem>>)
    %dma_wait3A_171 = arith.constant 0 : i32
    %dma_wait3A_172 = arith.constant 0 : i32
    %dma_wait3A_173 = tpu.memref_slice %arg4[%dma_wait3A_171, %dma_wait3A_172] : memref<100000x128xf32, #tpu.memory_space<hbm>> -> memref<400x128xf32, #tpu.memory_space<hbm>>
    %dma_wait3A_174 = arith.constant 0 : i32
    %dma_wait3A_175 = arith.constant 0 : i32
    %dma_wait3A_176 = tpu.memref_slice %arg4[%dma_wait3A_174, %dma_wait3A_175] : memref<100000x128xf32, #tpu.memory_space<hbm>> -> memref<400x128xf32, #tpu.memory_space<hbm>>
    tpu.wait_dma2 semaphore(%arg12 : memref<!tpu.dma_semaphore, #tpu.memory_space<semaphore_mem>>) src(%arg8 : memref<400x128xf32, #tpu.memory_space<vmem>>) dst(%dma_wait3A_176 : memref<400x128xf32, #tpu.memory_space<hbm>>)
    %add3A_177 = arith.constant 64 : i32
    %add3A_178 = arith.addi %add3A_177, %add3A : i32
    %mul3A_179 = arith.constant 400 : i32
    %mul3A_180 = arith.muli %add3A_178, %mul3A_179 : i32
    %dma_start3A_181 = arith.constant 0 : i32
    %dma_start3A_182 = tpu.memref_slice %arg4[%mul3A_180, %dma_start3A_181] : memref<100000x128xf32, #tpu.memory_space<hbm>> -> memref<400x128xf32, #tpu.memory_space<hbm>>
    %dma_start3A_183 = arith.constant 0 : i32
    %dma_start3A_184 = tpu.memref_slice %arg4[%mul3A_180, %dma_start3A_183] : memref<100000x128xf32, #tpu.memory_space<hbm>> -> memref<400x128xf32, #tpu.memory_space<hbm>>
    tpu.enqueue_dma source(%arg8 : memref<400x128xf32, #tpu.memory_space<vmem>>) target(%dma_start3A_184 : memref<400x128xf32, #tpu.memory_space<hbm>>) target_semaphore(%arg12 : memref<!tpu.dma_semaphore, #tpu.memory_space<semaphore_mem>>)
    %add3A_185 = arith.constant 128 : i32
    %add3A_186 = arith.addi %add3A_185, %add3A : i32
    %mul3A_187 = arith.constant 400 : i32
    %mul3A_188 = arith.muli %add3A_186, %mul3A_187 : i32
    %mul3A_189 = arith.constant 2 : i32
    %mul3A_190 = arith.muli %mul3A_189, %mul3A_188 : i32
    %dma_start3A_191 = tpu.memref_slice %arg2[%mul3A_190] : memref<200000xf32, #tpu.memory_space<hbm>> -> memref<800xf32, #tpu.memory_space<hbm>>
    %dma_start3A_192 = tpu.memref_slice %arg2[%mul3A_190] : memref<200000xf32, #tpu.memory_space<hbm>> -> memref<800xf32, #tpu.memory_space<hbm>>
    tpu.enqueue_dma source(%dma_start3A_192 : memref<800xf32, #tpu.memory_space<hbm>>) target(%arg5 : memref<800xf32, #tpu.memory_space<vmem>>) target_semaphore(%arg10 : memref<!tpu.dma_semaphore, #tpu.memory_space<semaphore_mem>>)
    %dma_wait3A_193 = arith.constant 0 : i32
    %dma_wait3A_194 = tpu.memref_slice %arg2[%dma_wait3A_193] : memref<200000xf32, #tpu.memory_space<hbm>> -> memref<800xf32, #tpu.memory_space<hbm>>
    %dma_wait3A_195 = arith.constant 0 : i32
    %dma_wait3A_196 = tpu.memref_slice %arg2[%dma_wait3A_195] : memref<200000xf32, #tpu.memory_space<hbm>> -> memref<800xf32, #tpu.memory_space<hbm>>
    tpu.wait_dma2 semaphore(%arg11 : memref<!tpu.dma_semaphore, #tpu.memory_space<semaphore_mem>>) src(%dma_wait3A_196 : memref<800xf32, #tpu.memory_space<hbm>>) dst(%arg6 : memref<800xf32, #tpu.memory_space<vmem>>)
    %dma_wait3A_197 = arith.constant 0 : i32
    %dma_wait3A_198 = arith.constant 0 : i32
    %dma_wait3A_199 = tpu.memref_slice %arg4[%dma_wait3A_197, %dma_wait3A_198] : memref<100000x128xf32, #tpu.memory_space<hbm>> -> memref<400x128xf32, #tpu.memory_space<hbm>>
    %dma_wait3A_200 = arith.constant 0 : i32
    %dma_wait3A_201 = arith.constant 0 : i32
    %dma_wait3A_202 = tpu.memref_slice %arg4[%dma_wait3A_200, %dma_wait3A_201] : memref<100000x128xf32, #tpu.memory_space<hbm>> -> memref<400x128xf32, #tpu.memory_space<hbm>>
    tpu.wait_dma2 semaphore(%arg13 : memref<!tpu.dma_semaphore, #tpu.memory_space<semaphore_mem>>) src(%arg9 : memref<400x128xf32, #tpu.memory_space<vmem>>) dst(%dma_wait3A_202 : memref<400x128xf32, #tpu.memory_space<hbm>>)
    %add3A_203 = arith.constant 96 : i32
    %add3A_204 = arith.addi %add3A_203, %add3A : i32
    %mul3A_205 = arith.constant 400 : i32
    %mul3A_206 = arith.muli %add3A_204, %mul3A_205 : i32
    %dma_start3A_207 = arith.constant 0 : i32
    %dma_start3A_208 = tpu.memref_slice %arg4[%mul3A_206, %dma_start3A_207] : memref<100000x128xf32, #tpu.memory_space<hbm>> -> memref<400x128xf32, #tpu.memory_space<hbm>>
    %dma_start3A_209 = arith.constant 0 : i32
    %dma_start3A_210 = tpu.memref_slice %arg4[%mul3A_206, %dma_start3A_209] : memref<100000x128xf32, #tpu.memory_space<hbm>> -> memref<400x128xf32, #tpu.memory_space<hbm>>
    tpu.enqueue_dma source(%arg9 : memref<400x128xf32, #tpu.memory_space<vmem>>) target(%dma_start3A_210 : memref<400x128xf32, #tpu.memory_space<hbm>>) target_semaphore(%arg13 : memref<!tpu.dma_semaphore, #tpu.memory_space<semaphore_mem>>)
    %add3A_211 = arith.constant 160 : i32
    %add3A_212 = arith.addi %add3A_211, %add3A : i32
    %mul3A_213 = arith.constant 400 : i32
    %mul3A_214 = arith.muli %add3A_212, %mul3A_213 : i32
    %mul3A_215 = arith.constant 2 : i32
    %mul3A_216 = arith.muli %mul3A_215, %mul3A_214 : i32
    %dma_start3A_217 = tpu.memref_slice %arg2[%mul3A_216] : memref<200000xf32, #tpu.memory_space<hbm>> -> memref<800xf32, #tpu.memory_space<hbm>>
    %dma_start3A_218 = tpu.memref_slice %arg2[%mul3A_216] : memref<200000xf32, #tpu.memory_space<hbm>> -> memref<800xf32, #tpu.memory_space<hbm>>
    tpu.enqueue_dma source(%dma_start3A_218 : memref<800xf32, #tpu.memory_space<hbm>>) target(%arg6 : memref<800xf32, #tpu.memory_space<vmem>>) target_semaphore(%arg11 : memref<!tpu.dma_semaphore, #tpu.memory_space<semaphore_mem>>)
    %dma_wait3A_219 = arith.constant 0 : i32
    %dma_wait3A_220 = tpu.memref_slice %arg2[%dma_wait3A_219] : memref<200000xf32, #tpu.memory_space<hbm>> -> memref<800xf32, #tpu.memory_space<hbm>>
    %dma_wait3A_221 = arith.constant 0 : i32
    %dma_wait3A_222 = tpu.memref_slice %arg2[%dma_wait3A_221] : memref<200000xf32, #tpu.memory_space<hbm>> -> memref<800xf32, #tpu.memory_space<hbm>>
    tpu.wait_dma2 semaphore(%arg10 : memref<!tpu.dma_semaphore, #tpu.memory_space<semaphore_mem>>) src(%dma_wait3A_222 : memref<800xf32, #tpu.memory_space<hbm>>) dst(%arg5 : memref<800xf32, #tpu.memory_space<vmem>>)
    %dma_wait3A_223 = arith.constant 0 : i32
    %dma_wait3A_224 = arith.constant 0 : i32
    %dma_wait3A_225 = tpu.memref_slice %arg4[%dma_wait3A_223, %dma_wait3A_224] : memref<100000x128xf32, #tpu.memory_space<hbm>> -> memref<400x128xf32, #tpu.memory_space<hbm>>
    %dma_wait3A_226 = arith.constant 0 : i32
    %dma_wait3A_227 = arith.constant 0 : i32
    %dma_wait3A_228 = tpu.memref_slice %arg4[%dma_wait3A_226, %dma_wait3A_227] : memref<100000x128xf32, #tpu.memory_space<hbm>> -> memref<400x128xf32, #tpu.memory_space<hbm>>
    tpu.wait_dma2 semaphore(%arg12 : memref<!tpu.dma_semaphore, #tpu.memory_space<semaphore_mem>>) src(%arg8 : memref<400x128xf32, #tpu.memory_space<vmem>>) dst(%dma_wait3A_228 : memref<400x128xf32, #tpu.memory_space<hbm>>)
    %add3A_229 = arith.constant 128 : i32
    %add3A_230 = arith.addi %add3A_229, %add3A : i32
    %mul3A_231 = arith.constant 400 : i32
    %mul3A_232 = arith.muli %add3A_230, %mul3A_231 : i32
    %dma_start3A_233 = arith.constant 0 : i32
    %dma_start3A_234 = tpu.memref_slice %arg4[%mul3A_232, %dma_start3A_233] : memref<100000x128xf32, #tpu.memory_space<hbm>> -> memref<400x128xf32, #tpu.memory_space<hbm>>
    %dma_start3A_235 = arith.constant 0 : i32
    %dma_start3A_236 = tpu.memref_slice %arg4[%mul3A_232, %dma_start3A_235] : memref<100000x128xf32, #tpu.memory_space<hbm>> -> memref<400x128xf32, #tpu.memory_space<hbm>>
    tpu.enqueue_dma source(%arg8 : memref<400x128xf32, #tpu.memory_space<vmem>>) target(%dma_start3A_236 : memref<400x128xf32, #tpu.memory_space<hbm>>) target_semaphore(%arg12 : memref<!tpu.dma_semaphore, #tpu.memory_space<semaphore_mem>>)
    %add3A_237 = arith.constant 192 : i32
    %add3A_238 = arith.addi %add3A_237, %add3A : i32
    %mul3A_239 = arith.constant 400 : i32
    %mul3A_240 = arith.muli %add3A_238, %mul3A_239 : i32
    %mul3A_241 = arith.constant 2 : i32
    %mul3A_242 = arith.muli %mul3A_241, %mul3A_240 : i32
    %dma_start3A_243 = tpu.memref_slice %arg2[%mul3A_242] : memref<200000xf32, #tpu.memory_space<hbm>> -> memref<800xf32, #tpu.memory_space<hbm>>
    %dma_start3A_244 = tpu.memref_slice %arg2[%mul3A_242] : memref<200000xf32, #tpu.memory_space<hbm>> -> memref<800xf32, #tpu.memory_space<hbm>>
    tpu.enqueue_dma source(%dma_start3A_244 : memref<800xf32, #tpu.memory_space<hbm>>) target(%arg5 : memref<800xf32, #tpu.memory_space<vmem>>) target_semaphore(%arg10 : memref<!tpu.dma_semaphore, #tpu.memory_space<semaphore_mem>>)
    %dma_wait3A_245 = arith.constant 0 : i32
    %dma_wait3A_246 = tpu.memref_slice %arg2[%dma_wait3A_245] : memref<200000xf32, #tpu.memory_space<hbm>> -> memref<800xf32, #tpu.memory_space<hbm>>
    %dma_wait3A_247 = arith.constant 0 : i32
    %dma_wait3A_248 = tpu.memref_slice %arg2[%dma_wait3A_247] : memref<200000xf32, #tpu.memory_space<hbm>> -> memref<800xf32, #tpu.memory_space<hbm>>
    tpu.wait_dma2 semaphore(%arg11 : memref<!tpu.dma_semaphore, #tpu.memory_space<semaphore_mem>>) src(%dma_wait3A_248 : memref<800xf32, #tpu.memory_space<hbm>>) dst(%arg6 : memref<800xf32, #tpu.memory_space<vmem>>)
    %dma_wait3A_249 = arith.constant 0 : i32
    %dma_wait3A_250 = arith.constant 0 : i32
    %dma_wait3A_251 = tpu.memref_slice %arg4[%dma_wait3A_249, %dma_wait3A_250] : memref<100000x128xf32, #tpu.memory_space<hbm>> -> memref<400x128xf32, #tpu.memory_space<hbm>>
    %dma_wait3A_252 = arith.constant 0 : i32
    %dma_wait3A_253 = arith.constant 0 : i32
    %dma_wait3A_254 = tpu.memref_slice %arg4[%dma_wait3A_252, %dma_wait3A_253] : memref<100000x128xf32, #tpu.memory_space<hbm>> -> memref<400x128xf32, #tpu.memory_space<hbm>>
    tpu.wait_dma2 semaphore(%arg13 : memref<!tpu.dma_semaphore, #tpu.memory_space<semaphore_mem>>) src(%arg9 : memref<400x128xf32, #tpu.memory_space<vmem>>) dst(%dma_wait3A_254 : memref<400x128xf32, #tpu.memory_space<hbm>>)
    %add3A_255 = arith.constant 160 : i32
    %add3A_256 = arith.addi %add3A_255, %add3A : i32
    %mul3A_257 = arith.constant 400 : i32
    %mul3A_258 = arith.muli %add3A_256, %mul3A_257 : i32
    %dma_start3A_259 = arith.constant 0 : i32
    %dma_start3A_260 = tpu.memref_slice %arg4[%mul3A_258, %dma_start3A_259] : memref<100000x128xf32, #tpu.memory_space<hbm>> -> memref<400x128xf32, #tpu.memory_space<hbm>>
    %dma_start3A_261 = arith.constant 0 : i32
    %dma_start3A_262 = tpu.memref_slice %arg4[%mul3A_258, %dma_start3A_261] : memref<100000x128xf32, #tpu.memory_space<hbm>> -> memref<400x128xf32, #tpu.memory_space<hbm>>
    tpu.enqueue_dma source(%arg9 : memref<400x128xf32, #tpu.memory_space<vmem>>) target(%dma_start3A_262 : memref<400x128xf32, #tpu.memory_space<hbm>>) target_semaphore(%arg13 : memref<!tpu.dma_semaphore, #tpu.memory_space<semaphore_mem>>)
    %add3A_263 = arith.constant 224 : i32
    %add3A_264 = arith.addi %add3A_263, %add3A : i32
    %lt3A_265 = arith.constant 250 : i32
    %lt3A_266 = arith.cmpi slt, %add3A_264, %lt3A_265 : i32
    %convert_element_type3A = arith.extui %lt3A_266 : i1 to i32
    %cond3A = arith.constant 0 : i32
    %cond3A_267 = arith.cmpi ne, %convert_element_type3A, %cond3A : i32
    scf.if %cond3A_267 {
      %add3A_305 = arith.constant 224 : i32
      %add3A_306 = arith.addi %add3A_305, %add3A : i32
      %mul3A_307 = arith.constant 400 : i32
      %mul3A_308 = arith.muli %add3A_306, %mul3A_307 : i32
      %mul3A_309 = arith.constant 2 : i32
      %mul3A_310 = arith.muli %mul3A_309, %mul3A_308 : i32
      %dma_start3A_311 = tpu.memref_slice %arg2[%mul3A_310] : memref<200000xf32, #tpu.memory_space<hbm>> -> memref<800xf32, #tpu.memory_space<hbm>>
      %dma_start3A_312 = tpu.memref_slice %arg2[%mul3A_310] : memref<200000xf32, #tpu.memory_space<hbm>> -> memref<800xf32, #tpu.memory_space<hbm>>
      tpu.enqueue_dma source(%dma_start3A_312 : memref<800xf32, #tpu.memory_space<hbm>>) target(%arg6 : memref<800xf32, #tpu.memory_space<vmem>>) target_semaphore(%arg11 : memref<!tpu.dma_semaphore, #tpu.memory_space<semaphore_mem>>)
    } else {
    }
    %dma_wait3A_268 = arith.constant 0 : i32
    %dma_wait3A_269 = tpu.memref_slice %arg2[%dma_wait3A_268] : memref<200000xf32, #tpu.memory_space<hbm>> -> memref<800xf32, #tpu.memory_space<hbm>>
    %dma_wait3A_270 = arith.constant 0 : i32
    %dma_wait3A_271 = tpu.memref_slice %arg2[%dma_wait3A_270] : memref<200000xf32, #tpu.memory_space<hbm>> -> memref<800xf32, #tpu.memory_space<hbm>>
    tpu.wait_dma2 semaphore(%arg10 : memref<!tpu.dma_semaphore, #tpu.memory_space<semaphore_mem>>) src(%dma_wait3A_271 : memref<800xf32, #tpu.memory_space<hbm>>) dst(%arg5 : memref<800xf32, #tpu.memory_space<vmem>>)
    %dma_wait3A_272 = arith.constant 0 : i32
    %dma_wait3A_273 = arith.constant 0 : i32
    %dma_wait3A_274 = tpu.memref_slice %arg4[%dma_wait3A_272, %dma_wait3A_273] : memref<100000x128xf32, #tpu.memory_space<hbm>> -> memref<400x128xf32, #tpu.memory_space<hbm>>
    %dma_wait3A_275 = arith.constant 0 : i32
    %dma_wait3A_276 = arith.constant 0 : i32
    %dma_wait3A_277 = tpu.memref_slice %arg4[%dma_wait3A_275, %dma_wait3A_276] : memref<100000x128xf32, #tpu.memory_space<hbm>> -> memref<400x128xf32, #tpu.memory_space<hbm>>
    tpu.wait_dma2 semaphore(%arg12 : memref<!tpu.dma_semaphore, #tpu.memory_space<semaphore_mem>>) src(%arg8 : memref<400x128xf32, #tpu.memory_space<vmem>>) dst(%dma_wait3A_277 : memref<400x128xf32, #tpu.memory_space<hbm>>)
    %add3A_278 = arith.constant 192 : i32
    %add3A_279 = arith.addi %add3A_278, %add3A : i32
    %mul3A_280 = arith.constant 400 : i32
    %mul3A_281 = arith.muli %add3A_279, %mul3A_280 : i32
    %dma_start3A_282 = arith.constant 0 : i32
    %dma_start3A_283 = tpu.memref_slice %arg4[%mul3A_281, %dma_start3A_282] : memref<100000x128xf32, #tpu.memory_space<hbm>> -> memref<400x128xf32, #tpu.memory_space<hbm>>
    %dma_start3A_284 = arith.constant 0 : i32
    %dma_start3A_285 = tpu.memref_slice %arg4[%mul3A_281, %dma_start3A_284] : memref<100000x128xf32, #tpu.memory_space<hbm>> -> memref<400x128xf32, #tpu.memory_space<hbm>>
    tpu.enqueue_dma source(%arg8 : memref<400x128xf32, #tpu.memory_space<vmem>>) target(%dma_start3A_285 : memref<400x128xf32, #tpu.memory_space<hbm>>) target_semaphore(%arg12 : memref<!tpu.dma_semaphore, #tpu.memory_space<semaphore_mem>>)
    %add3A_286 = arith.constant 224 : i32
    %add3A_287 = arith.addi %add3A_286, %add3A : i32
    %lt3A_288 = arith.constant 250 : i32
    %lt3A_289 = arith.cmpi slt, %add3A_287, %lt3A_288 : i32
    %convert_element_type3A_290 = arith.extui %lt3A_289 : i1 to i32
    %cond3A_291 = arith.constant 0 : i32
    %cond3A_292 = arith.cmpi ne, %convert_element_type3A_290, %cond3A_291 : i32
    scf.if %cond3A_292 {
      %dma_wait3A_305 = arith.constant 0 : i32
      %dma_wait3A_306 = tpu.memref_slice %arg2[%dma_wait3A_305] : memref<200000xf32, #tpu.memory_space<hbm>> -> memref<800xf32, #tpu.memory_space<hbm>>
      %dma_wait3A_307 = arith.constant 0 : i32
      %dma_wait3A_308 = tpu.memref_slice %arg2[%dma_wait3A_307] : memref<200000xf32, #tpu.memory_space<hbm>> -> memref<800xf32, #tpu.memory_space<hbm>>
      tpu.wait_dma2 semaphore(%arg11 : memref<!tpu.dma_semaphore, #tpu.memory_space<semaphore_mem>>) src(%dma_wait3A_308 : memref<800xf32, #tpu.memory_space<hbm>>) dst(%arg6 : memref<800xf32, #tpu.memory_space<vmem>>)
      %dma_wait3A_309 = arith.constant 0 : i32
      %dma_wait3A_310 = arith.constant 0 : i32
      %dma_wait3A_311 = tpu.memref_slice %arg4[%dma_wait3A_309, %dma_wait3A_310] : memref<100000x128xf32, #tpu.memory_space<hbm>> -> memref<400x128xf32, #tpu.memory_space<hbm>>
      %dma_wait3A_312 = arith.constant 0 : i32
      %dma_wait3A_313 = arith.constant 0 : i32
      %dma_wait3A_314 = tpu.memref_slice %arg4[%dma_wait3A_312, %dma_wait3A_313] : memref<100000x128xf32, #tpu.memory_space<hbm>> -> memref<400x128xf32, #tpu.memory_space<hbm>>
      tpu.wait_dma2 semaphore(%arg13 : memref<!tpu.dma_semaphore, #tpu.memory_space<semaphore_mem>>) src(%arg9 : memref<400x128xf32, #tpu.memory_space<vmem>>) dst(%dma_wait3A_314 : memref<400x128xf32, #tpu.memory_space<hbm>>)
      %add3A_315 = arith.constant 224 : i32
      %add3A_316 = arith.addi %add3A_315, %add3A : i32
      %mul3A_317 = arith.constant 400 : i32
      %mul3A_318 = arith.muli %add3A_316, %mul3A_317 : i32
      %dma_start3A_319 = arith.constant 0 : i32
      %dma_start3A_320 = tpu.memref_slice %arg4[%mul3A_318, %dma_start3A_319] : memref<100000x128xf32, #tpu.memory_space<hbm>> -> memref<400x128xf32, #tpu.memory_space<hbm>>
      %dma_start3A_321 = arith.constant 0 : i32
      %dma_start3A_322 = tpu.memref_slice %arg4[%mul3A_318, %dma_start3A_321] : memref<100000x128xf32, #tpu.memory_space<hbm>> -> memref<400x128xf32, #tpu.memory_space<hbm>>
      tpu.enqueue_dma source(%arg9 : memref<400x128xf32, #tpu.memory_space<vmem>>) target(%dma_start3A_322 : memref<400x128xf32, #tpu.memory_space<hbm>>) target_semaphore(%arg13 : memref<!tpu.dma_semaphore, #tpu.memory_space<semaphore_mem>>)
    } else {
    }
    %dma_wait3A_293 = arith.constant 0 : i32
    %dma_wait3A_294 = arith.constant 0 : i32
    %dma_wait3A_295 = tpu.memref_slice %arg4[%dma_wait3A_293, %dma_wait3A_294] : memref<100000x128xf32, #tpu.memory_space<hbm>> -> memref<400x128xf32, #tpu.memory_space<hbm>>
    %dma_wait3A_296 = arith.constant 0 : i32
    %dma_wait3A_297 = arith.constant 0 : i32
    %dma_wait3A_298 = tpu.memref_slice %arg4[%dma_wait3A_296, %dma_wait3A_297] : memref<100000x128xf32, #tpu.memory_space<hbm>> -> memref<400x128xf32, #tpu.memory_space<hbm>>
    tpu.wait_dma2 semaphore(%arg12 : memref<!tpu.dma_semaphore, #tpu.memory_space<semaphore_mem>>) src(%arg8 : memref<400x128xf32, #tpu.memory_space<vmem>>) dst(%dma_wait3A_298 : memref<400x128xf32, #tpu.memory_space<hbm>>)
    %dma_wait3A_299 = arith.constant 0 : i32
    %dma_wait3A_300 = arith.constant 0 : i32
    %dma_wait3A_301 = tpu.memref_slice %arg4[%dma_wait3A_299, %dma_wait3A_300] : memref<100000x128xf32, #tpu.memory_space<hbm>> -> memref<400x128xf32, #tpu.memory_space<hbm>>
    %dma_wait3A_302 = arith.constant 0 : i32
    %dma_wait3A_303 = arith.constant 0 : i32
    %dma_wait3A_304 = tpu.memref_slice %arg4[%dma_wait3A_302, %dma_wait3A_303] : memref<100000x128xf32, #tpu.memory_space<hbm>> -> memref<400x128xf32, #tpu.memory_space<hbm>>
    tpu.wait_dma2 semaphore(%arg13 : memref<!tpu.dma_semaphore, #tpu.memory_space<semaphore_mem>>) src(%arg9 : memref<400x128xf32, #tpu.memory_space<vmem>>) dst(%dma_wait3A_304 : memref<400x128xf32, #tpu.memory_space<hbm>>)
    return
  }
}

</mosaic_0001>

<sc_bundles>
// kernel: kernel.3.cloned.1.call-start
scs
__scs_entry_jumppad:
0x0: {  	(pc) =	sbr.rel $0x88, $3  }
0x1: {  	(tag) =	ssettag $0x0;
	lr =	simm.s32 $0x1  }
0x2: {  	[smem:$0x3F9F] =	sst lr;
	_ =	strace $0xD0000000  }
0x3: {  	_ = 	snop  }
0x4: {  	_ = 	snop  }
0x5: {  	_ = 	snop  }
0x6: {  	_ = 	snop  }
0x7: {  	_ = 	snop  }
__scs_overlays_trampoline_lowered:
0x8: {  	[smem:$0x3FAE] =	sst s0  }
0x9: {  	[smem:$0x3FAF] =	sst s1  }
0xa: {  	[smem:$0x3FB0] =	sst s2  }
0xb: {  	[smem:$0x3FB1] =	sst s3  }
0xc: {  	[smem:$0x3FB2] =	sst s4  }
0xd: {  	[smem:$0x3FB3] =	sst s5  }
0xe: {  	[smem:$0x3FB4] =	sst s6  }
0xf: {  	[smem:$0x3FB5] =	sst s7  }
0x10: {  	[smem:$0x3FB6] =	sst s8  }
0x11: {  	[smem:$0x3FB7] =	sst s9;
	s0 =	simm.s32 @!p0 $0x0  }
0x12: {  	s1 =	sld [smem:$0x3F9D];
	s0 =	simm.s32 @p0 $0x1  }
0x13: {  	[smem:$0x3FB8] =	sst s0;
	s0 =	simm.s32 @!p1 $0x0  }
0x14: {  	s2 =	sld [smem:$0x3F9C];
	s0 =	simm.s32 @p1 $0x1  }
0x15: {  	[smem:$0x3FB9] =	sst s0;
	s0 =	simm.s32 @!p2 $0x0  }
0x16: {  	s3 =	sld [smem:$0x3FDB];
	s0 =	simm.s32 @p2 $0x1  }
0x17: {  	s4 =	simm.s32 $0x1BF5;
	[smem:$0x3FBB] =	sst s0  }
0x18: {  	s0 =	sld [smem:$0x3F9E];
	_ =	swait.ge [sflag:s4], $0x0  }
0x19: {  	s7 =	sld [smem:$0x3F9F]  }
0x1a: {  	s8 =	sadd.s32 $0xFFFFE003, lr  }
0x1b: {  	s9 =	sadd.s32 $0xFFFFFEF7, lr;
	s5 =	simm.s32 $0xFFFFFFFF;
	p2 =	slt.u32 s8, $0xFFFFF086  }
0x1c: {  	p1 =	slt.u32 s9, $0xF7A;
	s5 =	simm.s32 @!p2 $0x0  }
0x1d: {  	s5 =	simm.s32 @p1 $0x1;
	p0 =	seq.s32 s7, s2  }
0x1e: {  	s7 =	smul.u32 @!p0 $0xF7A, s2;
	p2 =	seq.s32 @!p0 s5, $0x0  }
0x1f: {  	s9 =	smul.u32 $0xF7A, s1;
	s8 =	simm.s32 @!p0 $0x1BF5;
	p2 =	por !p2, p0  }
0x20: {  	[sflag:s8] =	ssyncset.s32 @!p0 $0xFFFFF086;
	s6 =	sadd.s32 @!p0 s3, s7;
	s7 =	simm.s32 @!p0 $0x108  }
0x21: {  	s3 =	sadd.s32 s3, s9;
	s6 =	sadd.s32 @!p0 $0x88, s6;
	s7 =	simm.s32 @p2 $0x1082  }
0x22: {  	[simem:s7], [sflag:s8] =	dma.local @!p0 [hbm:s6], $0xF7A  }
0x23: {  	s9 =	sor.u32 $0xD0000000, s2;
	s6 =	simm.s32 $0x108;
	_ =	swait.ge @!p0 [sflag:s8], $0x0  }
0x24: {  	s3 =	sadd.s32 $0x88, s3;
	s6 =	simm.s32 @!p1 $0x1082;
	[sflag:s4] =	ssyncset.s32 $0xFFFFF086  }
0x25: {  	[simem:s6], [sflag:s4] =	dma.local [hbm:s3], $0xF7A  }
0x26: {  	[smem:$0x3F9F] =	sst s1;
	(tag) =	ssettag s2;
	_ =	strace s9  }
0x27: {  	s1 =	sld [smem:$0x3FAF]  }
0x28: {  	s2 =	sld [smem:$0x3FB0]  }
0x29: {  	s4 =	sld [smem:$0x3FB2]  }
0x2a: {  	p0 =	seq.s32 s5, $0x0;
	s5 =	sld [smem:$0x3FB3]  }
0x2b: {  	s6 =	sld [smem:$0x3FB4]  }
0x2c: {  	s7 =	sld [smem:$0x3FB5]  }
0x2d: {  	s3 =	simm.s32 $0x108;
	s8 =	sld [smem:$0x3FB6]  }
0x2e: {  	s3 =	simm.s32 @!p0 $0x1082;
	s9 =	sld [smem:$0x3FB7]  }
0x2f: {  	lr =	sadd.s32 s0, s3;
	s0 =	sld [smem:$0x3FAE]  }
0x30: {  	s3 =	sld [smem:$0x3FB1]  }
0x31: {  	[smem:$0x3FBA] =	sst s10  }
0x32: {  	s10 =	sld [smem:$0x3FB8];
	_ =	sdelay $0x3  }
0x33: {  	p0 =	seq.s32 s10, $0x1;
	s10 =	sld [smem:$0x3FBA];
	_ =	sdelay $0x3  }
0x34: {  	[smem:$0x3FBA] =	sst s10  }
0x35: {  	s10 =	sld [smem:$0x3FB9];
	_ =	sdelay $0x3  }
0x36: {  	p1 =	seq.s32 s10, $0x1;
	s10 =	sld [smem:$0x3FBA];
	_ =	sdelay $0x3  }
0x37: {  	[smem:$0x3FBA] =	sst s10  }
0x38: {  	s10 =	sld [smem:$0x3FBB]  }
0x39: {  	_ = 	snop;
	(pc) =	sbr.ind lr, $3  }
0x3a: {  	_ = 	snop  }
0x3b: {  	_ = 	snop  }
0x3c: {  	p2 =	seq.s32 s10, $0x1;
	s10 =	sld [smem:$0x3FBA]  }
0x3d: {  	_ =	shalt  }
0x3e: {  	_ =	shalt  }
0x3f: {  	_ =	shalt  }
0x40: {  	_ =	shalt  }
0x41: {  	_ =	shalt  }
0x42: {  	_ =	shalt  }
0x43: {  	_ =	shalt  }
0x44: {  	_ =	shalt  }
0x45: {  	_ =	shalt  }
0x46: {  	_ =	shalt  }
0x47: {  	_ =	shalt  }
0x48: {  	_ =	shalt  }
0x49: {  	_ =	shalt  }
0x4a: {  	_ =	shalt  }
0x4b: {  	_ =	shalt  }
0x4c: {  	_ =	shalt  }
0x4d: {  	_ =	shalt  }
0x4e: {  	_ =	shalt  }
0x4f: {  	_ =	shalt  }
0x50: {  	_ =	shalt  }
0x51: {  	_ =	shalt  }
0x52: {  	_ =	shalt  }
0x53: {  	_ =	shalt  }
0x54: {  	_ =	shalt  }
0x55: {  	_ =	shalt  }
0x56: {  	_ =	shalt  }
0x57: {  	_ =	shalt  }
0x58: {  	_ =	shalt  }
0x59: {  	_ =	shalt  }
0x5a: {  	_ =	shalt  }
0x5b: {  	_ =	shalt  }
0x5c: {  	_ =	shalt  }
0x5d: {  	_ =	shalt  }
0x5e: {  	_ =	shalt  }
0x5f: {  	_ =	shalt  }
0x60: {  	_ =	shalt  }
0x61: {  	_ =	shalt  }
0x62: {  	_ =	shalt  }
0x63: {  	_ =	shalt  }
0x64: {  	_ =	shalt  }
0x65: {  	_ =	shalt  }
0x66: {  	_ =	shalt  }
0x67: {  	_ =	shalt  }
0x68: {  	_ =	shalt  }
0x69: {  	_ =	shalt  }
0x6a: {  	_ =	shalt  }
0x6b: {  	_ =	shalt  }
0x6c: {  	_ =	shalt  }
0x6d: {  	_ =	shalt  }
0x6e: {  	_ =	shalt  }
0x6f: {  	_ =	shalt  }
0x70: {  	_ =	shalt  }
0x71: {  	_ =	shalt  }
0x72: {  	_ =	shalt  }
0x73: {  	_ =	shalt  }
0x74: {  	_ =	shalt  }
0x75: {  	_ =	shalt  }
0x76: {  	_ =	shalt  }
0x77: {  	_ =	shalt  }
0x78: {  	_ =	shalt  }
0x79: {  	_ =	shalt  }
0x7a: {  	_ =	shalt  }
0x7b: {  	_ =	shalt  }
0x7c: {  	_ =	shalt  }
0x7d: {  	_ =	shalt  }
0x7e: {  	_ =	shalt  }
0x7f: {  	_ =	shalt  }
0x80: {  	_ =	shalt  }
0x81: {  	_ =	shalt  }
0x82: {  	_ =	shalt  }
0x83: {  	_ =	shalt  }
0x84: {  	_ =	shalt  }
0x85: {  	_ =	shalt  }
0x86: {  	_ =	shalt  }
0x87: {  	_ =	shalt  }
.Lfunc_end0:
.L_simem_size_0:
called_computation_lowered:
.L_overlay_start_0:
0x88: {  	s2 =	sld [smem:$0x3FD9]  }
0x89: {  	s3 =	sld [smem:$0x3FFE];
	_ =	sdelay $0x1  }
0x8a: {  	s1 =	srdreg.scid  }
0x8b: {  	s0 =	sand.u32 $0x1, s1  }
0x8c: {  	s17 =	sshll.u32 s0, $0xA;
	s2 =	sadd.s32 s3, s2  }
0x8d: {  	s2 =	sadd.s32 s2, s17  }
0x8e: {  	[smem:$0x3FC6] =	sst s2  }
0x8f: {  	_ = 	snop  }
0x90: {  	s2 =	sld [smem:$0x3FD0];
	(tm) =	ssettm $0x1  }
0x91: {  	s18 =	sld [smem:$0x3FFB];
	_ =	sdelay $0x3  }
0x92: {  	_ =	strace s18  }
0x93: {  	s3 =	sld [smem:$0x3FFC];
	_ =	sdelay $0x3  }
0x94: {  	_ =	strace s3  }
0x95: {  	s3 =	sld [smem:$0x3FFD];
	_ =	sdelay $0x3  }
0x96: {  	_ =	strace s3  }
0x97: {  	_ =	strace $0x8FFFFFFF  }
0x98: {  	s19 =	sld [smem:$0x3FDB];
	_ =	sdelay $0x1  }
0x99: {  	s4 =	simm.s32 $_scs_section_size  }
0x9a: {  	s5 =	simm.s32 $_size__tile_overlayer_lowered;
	s6 =	simm.s32 $_tile_overlayer_lowered  }
0x9b: {  	s22 =	simm.s32 $0x1BFF;
	s21 =	sshll.u32 s6, $0x1;
	s3 =	sadd.s32 s4, s19  }
0x9c: {  	s7 =	simm.s32 $0x0;
	s20 =	sshll.u32 s5, $0x1;
	s5 =	sadd.s32 s21, s3  }
0x9d: {  	[timem:s7], [sflag:s22] =	dma.local [hbm:s5], s20  }
0x9e: {  	_ =	swait.ge [sflag:s22], s20  }
0x9f: {  	s4 =	ssub.s32 $0x0, s20;
	[sflag:s22] =	ssyncset.done $0x0  }
0xa0: {  	[sflag:s22] =	ssyncadd.s32 s4;
	_ =	sdelay $0x1  }
0xa1: {  	s23 =	simm.s32 $0x1B8B  }
0xa2: {  	_ =	swait.ge [sflag:s23], $0x1  }
0xa3: {  	[sflag:s23] =	ssyncset.done $0x0  }
0xa4: {  	s25 =	simm.s32 $0x1B8E;
	s24 =	sld [smem:$0x3FFE];
	[sflag:s23] =	ssyncadd.s32 $0xFFFFFFFF  }
0xa5: {  	s26 =	simm.s32 $execute0_lowered;
	[smem:$0x3FD2] =	sst s25  }
0xa6: {  	s5 =	sshll.u32 s26, $0x1;
	_ =	strace $0x80000046;
	[dreg:$0x1] =	wrdreg $0xFFFFFFFF  }
0xa7: {  	s28 =	simm.s32 $_size_execute0_lowered;
	s3 =	sadd.s32 s3, s5;
	[dreg:$0x0] =	wrdreg $0x0  }
0xa8: {  	s5 =	sshll.u32 s28, $0x1;
	[dreg:$0x2] =	wrdreg s3  }
0xa9: {  	[dreg:$0x3] =	wrdreg s5  }
0xaa: {  	[dreg:$0x4] =	wrdreg $0xC0  }
0xab: {  	_ =	task [dreg:s7], $0x5FFFF  }
0xac: {  	[dreg:$0x1] =	wrdreg $0xFFFFFFFF  }
0xad: {  	[dreg:$0x0] =	wrdreg $0x60  }
0xae: {  	[dreg:$0x2] =	wrdreg s24  }
0xaf: {  	[dreg:$0x3] =	wrdreg s2  }
0xb0: {  	[dreg:$0x4] =	wrdreg $0x9  }
0xb1: {  	_ =	task.clear_ibuf [dreg:s7], $0x5FFFF;
	_ =	strace $0x90000046  }
0xb2: {  	s29 =	simm.s32 $0x9;
	_ =	strace $0x80000048  }
0xb3: {  	_ =	swait.ge [sflag:s29], $0x1  }
0xb4: {  	[sflag:s29] =	ssyncadd.s32 $0xFFFFFFFF  }
0xb5: {  	_ =	strace $0x90000048  }
0xb6: {  	_ =	sfence  }
0xb7: {  	s30 =	sld [smem:$0x0];
	_ =	sdelay $0x2  }
0xb8: {  	s31 =	sshll.u32 s1, $0xD;
	s1 =	sshrl.u32 s1, $0x2  }
0xb9: {  	s3 =	sand.u32 $0x4000, s31;
	s1 =	sadd.s32 s1, s30  }
0xba: {  	s0 =	sor.u32 s3, s0;
	s1 =	sshll.u32 s1, $0x11  }
0xbb: {  	s0 =	sor.u32 s1, s0  }
0xbc: {  	s0 =	sadd.s32 $0x8F2B, s0  }
0xbd: {  	[sflag:s0] =	ssyncadd.remote.s32 $0x1  }
0xbe: {  	_ =	sfence.sel $0xFFFF  }
0xbf: {  	[dreg:$0x0] =	wrdreg $0xFFFFFFFF;
	(pc) =	sbr.abs _section_cstart, $3  }
0xc0: {  	[dreg:$0x1] =	wrdreg $0xFFFFFFFF  }
0xc1: {  	_ =	task.clear_ibuf [dreg:s7], $0x2FFFF;
	_ =	strace $0x9FFFFFFF  }
0xc2: {  	(tm) =	ssettm $0x7FFFFFFF  }
0xc3: {  	_ =	shalt  }
tec
execute0_lowered:
.L_overlay_start_1:
0x0: {  	(tag) =	ssettag $0x1  }
0x1: {  	s3 =	srdreg.scid;
	s22 =	stileid.u32  }
0x2: {  	s3 =	sand.u32 $0x1, s3;
	s4 =	sshll.u32 s22, $0x1  }
0x3: {  	s4 =	sor.u32 s3, s4  }
0x4: {  	s6 =	smul.u32 $0x64, s4  }
0x5: {  	s7 =	sor.u32 $0x20, s4;
	s8 =	smul.u32 $0x1900, s4  }
0x6: {  	s9 =	sor.u32 $0x40, s4;
	s18 =	smul.u32 $0x64, s7  }
0x7: {  	s19 =	smul.u32 $0x64, s9  }
0x8: {  	s10 =	sor.u32 $0x60, s4;
	s7 =	smul.u32 $0x1900, s7  }
0x9: {  	s20 =	smul.u32 $0x64, s10  }
0xa: {  	s0 =	rddreg [dreg:$0x0];
	s11 =	sor.u32 $0x80, s4;
	s9 =	smul.u32 $0x1900, s9  }
0xb: {  	s1 =	rddreg [dreg:$0x1];
	s23 =	smul.u32 $0x64, s11  }
0xc: {  	s21 =	rddreg [dreg:$0x2];
	s12 =	sor.u32 $0xA0, s4;
	s10 =	smul.u32 $0x1900, s10  }
0xd: {  	s2 =	simm.s32 $0x0;
	s17 =	simm.s32 $0x1;
	s24 =	smul.u32 $0x64, s12  }
0xe: {  	p1 =	por $0x0, $0x0;
	s25 =	sor.u32 $0xC0, s4;
	s14 =	smul.u32 $0x1900, s11  }
0xf: {  	[smem:$0x7FF] =	sst s2;
	s5 =	sadd.s32 $0x6800, s0;
	s26 =	smul.u32 $0x64, s25  }
0x10: {  	s0 =	sadd.s32 $0x600, s0;
	s4 =	sor.u32 $0xE0, s4;
	s28 =	smul.u32 $0x1900, s12  }
0x11: {  	p0 =	sgt.u32 s22, $0xC;
	s3 =	ssub.s32 $0x2, s3;
	s16 =	smul.u32 $0x64, s4  }
0x12: {  	_ =	strace $0x80000047;
	s13 =	sshrl.u32 s3, $0x1;
	s30 =	smul.u32 $0x1900, s25  }
0x13: {  	[dreg:$0x3] =	wrdreg s5;
	s13 =	ssub.s32 s3, s13;
	s4 =	smul.u32 $0x1900, s4  }
0x14: {  	s6 =	sadd.s32 s0, s6;
	s8 =	sadd.s32 s1, s8;
	s31 =	smax.u32 s13, $0x1  }
0x15: {  	s13 =	simm.s32 $0xCF40;
	[dreg:$0x4] =	wrdreg s6;
	s5 =	sadd.s32 s0, s18  }
0x16: {  	[dreg:$0x6] =	wrdreg s8;
	s6 =	sadd.s32 s0, s19;
	s7 =	sadd.s32 s1, s7  }
0x17: {  	s29 =	sadd.s32 s1, s9;
	s15 =	sadd.s32 s0, s23;
	s11 =	sadd.s32 s1, s10  }
0x18: {  	s12 =	sadd.s32 s0, s24;
	s9 =	sadd.s32 s1, s14;
	s10 =	sadd.s32 s0, s26  }
0x19: {  	[dreg:$0x5] =	wrdreg s5;
	s5 =	sadd.s32 s0, s20;
	s20 =	sadd.s32 $0xFFFFFFFF, s31  }
0x1a: {  	s8 =	sadd.s32 s1, s28;
	s3 =	sadd.s32 s1, s4;
	p2 =	sne.s32 s20, $0x0  }
.Ltmp0:
0x1b: {  	s24 =	simm.s32 $0x640;
	s23 =	rddreg [dreg:$0x3];
	(pc) =	sbr.rel @!p2 .LBB2_5-.Ltmp0, $4  }
0x1c: {  	s19 =	simm.s32 $0x5;
	s18 =	simm.s32 $0x320;
	[dreg:$0x7] =	wrdreg s6  }
0x1d: {  	s14 =	simm.s32 $0x2;
	s4 =	simm.s32 $0x4;
	[dreg:$0x8] =	wrdreg s7  }
0x1e: {  	[dreg:$0xa] =	wrdreg s29;
	s7 =	sadd.s32 s0, s16;
	s16 =	simm.s32 $0x740  }
0x1f: {  	s6 =	simm.s32 $0x3;
	[dreg:$0x9] =	wrdreg s5;
	s5 =	sadd.s32 s1, s30  }
0x20: {  	[tilespmem:s24], [sflag:$0x5] =	stream.linear.gather [hbm4b:s23+s2], $0x100, $0x38;
	[tilespmem:$0x19740] =	vst v63  }
0x21: {  	_ =	swait.ge [sflag:s19], $0x100  }
0x22: {  	[sflag:s19] =	ssyncset.done $0x0  }
0x23: {  	s0 =	rddreg [dreg:$0x4];
	[sflag:s19] =	ssyncadd.s32 $0xFFFFFF00  }
0x24: {  	[tilespmem:s2], [sflag:$0x1] =	stream.linear.gather [hbm4b:s0+s2], $0x320, $0x38;
	[tilespmem:$0x19740] =	vst v63  }
0x25: {  	s1 =	rddreg [dreg:$0x5]  }
0x26: {  	[tilespmem:s18], [sflag:$0x2] =	stream.linear.gather [hbm4b:s1+s2], $0x320, $0x38;
	[tilespmem:$0x19740] =	vst v63  }
0x27: {  	_ =	swait.ge [sflag:s17], $0x320  }
0x28: {  	[sflag:s17] =	ssyncset.done $0x0  }
0x29: {  	s21 =	rddreg [dreg:$0x6];
	[sflag:s17] =	ssyncadd.s32 $0xFFFFFCE0  }
0x2a: {  	[hbm4b:s21+s2] =	stream.linear.scatter [tilespmem:s16], [sflag:$0x3], $0xC800, $0x38;
	[tilespmem:$0x19740] =	vst v63  }
0x2b: {  	s22 =	rddreg [dreg:$0x7]  }
0x2c: {  	[tilespmem:s2], [sflag:$0x1] =	stream.linear.gather [hbm4b:s22+s2], $0x320, $0x38;
	[tilespmem:$0x19740] =	vst v63  }
0x2d: {  	_ =	swait.ge [sflag:s14], $0x320  }
0x2e: {  	[sflag:s14] =	ssyncset.done $0x0  }
0x2f: {  	s23 =	rddreg [dreg:$0x8];
	[sflag:s14] =	ssyncadd.s32 $0xFFFFFCE0  }
0x30: {  	[hbm4b:s23+s2] =	stream.linear.scatter [tilespmem:s13], [sflag:$0x4], $0xC800, $0x38;
	[tilespmem:$0x19740] =	vst v63  }
0x31: {  	s25 =	rddreg [dreg:$0x9]  }
0x32: {  	[tilespmem:s18], [sflag:$0x2] =	stream.linear.gather [hbm4b:s25+s2], $0x320, $0x38;
	[tilespmem:$0x19740] =	vst v63  }
0x33: {  	_ =	swait.ge [sflag:s17], $0x320  }
0x34: {  	[sflag:s17] =	ssyncset.done $0x0  }
0x35: {  	[sflag:s17] =	ssyncadd.s32 $0xFFFFFCE0  }
0x36: {  	_ =	swait.ge [sflag:s6], $0xC800  }
0x37: {  	[sflag:s6] =	ssyncset.done $0x0  }
0x38: {  	s26 =	rddreg [dreg:$0xa];
	[sflag:s6] =	ssyncadd.s32 $0xFFFF3800  }
0x39: {  	[hbm4b:s26+s2] =	stream.linear.scatter [tilespmem:s16], [sflag:$0x3], $0xC800, $0x38;
	[tilespmem:$0x19740] =	vst v63  }
0x3a: {  	_ = 	snop  }
0x3b: {  	[tilespmem:s2], [sflag:$0x1] =	stream.linear.gather [hbm4b:s15+s2], $0x320, $0x38;
	[tilespmem:$0x19740] =	vst v63  }
0x3c: {  	_ =	swait.ge [sflag:s14], $0x320  }
0x3d: {  	[sflag:s14] =	ssyncset.done $0x0  }
0x3e: {  	[sflag:s14] =	ssyncadd.s32 $0xFFFFFCE0  }
0x3f: {  	_ =	swait.ge [sflag:s4], $0xC800  }
0x40: {  	[sflag:s4] =	ssyncset.done $0x0  }
0x41: {  	[sflag:s4] =	ssyncadd.s32 $0xFFFF3800  }
0x42: {  	[hbm4b:s11+s2] =	stream.linear.scatter [tilespmem:s13], [sflag:$0x4], $0xC800, $0x38;
	[tilespmem:$0x19740] =	vst v63  }
0x43: {  	_ = 	snop  }
0x44: {  	[tilespmem:s18], [sflag:$0x2] =	stream.linear.gather [hbm4b:s12+s2], $0x320, $0x38;
	[tilespmem:$0x19740] =	vst v63  }
0x45: {  	_ =	swait.ge [sflag:s17], $0x320  }
0x46: {  	[sflag:s17] =	ssyncset.done $0x0  }
0x47: {  	[sflag:s17] =	ssyncadd.s32 $0xFFFFFCE0  }
0x48: {  	_ =	swait.ge [sflag:s6], $0xC800  }
0x49: {  	[sflag:s6] =	ssyncset.done $0x0  }
0x4a: {  	[sflag:s6] =	ssyncadd.s32 $0xFFFF3800  }
0x4b: {  	[hbm4b:s9+s2] =	stream.linear.scatter [tilespmem:s16], [sflag:$0x3], $0xC800, $0x38;
	[tilespmem:$0x19740] =	vst v63  }
0x4c: {  	_ = 	snop  }
0x4d: {  	[tilespmem:s2], [sflag:$0x1] =	stream.linear.gather [hbm4b:s10+s2], $0x320, $0x38;
	[tilespmem:$0x19740] =	vst v63  }
0x4e: {  	_ =	swait.ge [sflag:s14], $0x320  }
0x4f: {  	[sflag:s14] =	ssyncset.done $0x0  }
0x50: {  	[sflag:s14] =	ssyncadd.s32 $0xFFFFFCE0  }
0x51: {  	_ =	swait.ge [sflag:s4], $0xC800  }
0x52: {  	[sflag:s4] =	ssyncset.done $0x0  }
0x53: {  	s21 =	simm.s32 @p0 $0x1;
	[sflag:s4] =	ssyncadd.s32 $0xFFFF3800  }
0x54: {  	[hbm4b:s8+s2] =	stream.linear.scatter [tilespmem:s13], [sflag:$0x4], $0xC800, $0x38;
	[tilespmem:$0x19740] =	vst v63  }
0x55: {  	_ =	swait.ge @p0 [sflag:s21], $0x320  }
0x56: {  	[sflag:s21] =	ssyncset.done @p0 $0x0  }
0x57: {  	s22 =	simm.s32 @p0 $0x3;
	[sflag:s21] =	ssyncadd.s32 @p0 $0xFFFFFCE0  }
0x58: {  	_ =	swait.ge @p0 [sflag:s22], $0xC800  }
0x59: {  	[sflag:s22] =	ssyncset.done @p0 $0x0  }
0x5a: {  	s0 =	simm.s32 @p0 $0x0;
	s1 =	simm.s32 @p0 $0x740;
	[sflag:s22] =	ssyncadd.s32 @p0 $0xFFFF3800  }
0x5b: {  	[hbm4b:s5+s0] =	stream.linear.scatter @p0 [tilespmem:s1], [sflag:$0x3], $0xC800, $0x38;
	[tilespmem:$0x19740] =	vst v63  }
0x5c: {  	s28 =	simm.s32 @!p0 $0x1;
	s25 =	simm.s32 @!p0 $0x0;
	s0 =	simm.s32 @!p0 $0x320  }
0x5d: {  	[tilespmem:s0], [sflag:$0x2] =	stream.linear.gather @!p0 [hbm4b:s7+s25], $0x320, $0x38;
	[tilespmem:$0x19740] =	vst v63  }
0x5e: {  	_ =	swait.ge @!p0 [sflag:s28], $0x320  }
0x5f: {  	[sflag:s28] =	ssyncset.done @!p0 $0x0  }
0x60: {  	s29 =	simm.s32 @!p0 $0x3;
	[sflag:s28] =	ssyncadd.s32 @!p0 $0xFFFFFCE0  }
0x61: {  	_ =	swait.ge @!p0 [sflag:s29], $0xC800  }
0x62: {  	[sflag:s29] =	ssyncset.done @!p0 $0x0  }
0x63: {  	s30 =	simm.s32 @!p0 $0x740;
	s31 =	simm.s32 @!p0 $0x2;
	[sflag:s29] =	ssyncadd.s32 @!p0 $0xFFFF3800  }
0x64: {  	[hbm4b:s5+s25] =	stream.linear.scatter @!p0 [tilespmem:s30], [sflag:$0x3], $0xC800, $0x38;
	[tilespmem:$0x19740] =	vst v63  }
0x65: {  	_ =	swait.ge @!p0 [sflag:s31], $0x320  }
0x66: {  	[sflag:s31] =	ssyncset.done @!p0 $0x0  }
0x67: {  	s0 =	simm.s32 @!p0 $0x4;
	[sflag:s31] =	ssyncadd.s32 @!p0 $0xFFFFFCE0  }
0x68: {  	_ =	swait.ge @!p0 [sflag:s0], $0xC800  }
0x69: {  	s20 =	sadd.s32 $0xFFFFFFFF, s20;
	[sflag:s0] =	ssyncset.done @!p0 $0x0  }
0x6a: {  	p2 =	sne.s32 s20, $0x0;
	s1 =	simm.s32 @!p0 $0xCF40;
	[sflag:s0] =	ssyncadd.s32 @!p0 $0xFFFF3800  }
0x6b: {  	[hbm4b:s3+s25] =	stream.linear.scatter @!p0 [tilespmem:s1], [sflag:$0x4], $0xC800, $0x38;
	[tilespmem:$0x19740] =	vst v63  }
.Ltmp1:
0x6c: {  	_ =	swait.ge [sflag:s6], $0xC800;
	(pc) =	sbr.rel @!p2 .LBB2_2-.Ltmp1, $4  }
0x6d: {  	[sflag:s6] =	ssyncset.done $0x0  }
0x6e: {  	[sflag:s6] =	ssyncadd.s32 $0xFFFF3800  }
0x6f: {  	_ =	swait.ge [sflag:s4], $0xC800  }
0x70: {  	p1 =	por $0x1, $0x1;
	s23 =	rddreg [dreg:$0x3];
	[sflag:s4] =	ssyncset.done $0x0  }
.LBB2_3:
0x71: {  	[sflag:s4] =	ssyncadd.s32 $0xFFFF3800  }
0x72: {  	[tilespmem:s24], [sflag:$0x5] =	stream.linear.gather [hbm4b:s23+s2], $0x100, $0x38;
	[tilespmem:$0x19740] =	vst v63  }
0x73: {  	_ =	swait.ge [sflag:s19], $0x100  }
0x74: {  	[sflag:s19] =	ssyncset.done $0x0  }
0x75: {  	s24 =	rddreg [dreg:$0x4];
	[sflag:s19] =	ssyncadd.s32 $0xFFFFFF00  }
0x76: {  	[tilespmem:s2], [sflag:$0x1] =	stream.linear.gather [hbm4b:s24+s2], $0x320, $0x38;
	[tilespmem:$0x19740] =	vst v63  }
0x77: {  	s26 =	rddreg [dreg:$0x5]  }
0x78: {  	[tilespmem:s18], [sflag:$0x2] =	stream.linear.gather [hbm4b:s26+s2], $0x320, $0x38;
	[tilespmem:$0x19740] =	vst v63  }
0x79: {  	_ =	swait.ge [sflag:s17], $0x320  }
0x7a: {  	[sflag:s17] =	ssyncset.done $0x0  }
0x7b: {  	s24 =	rddreg [dreg:$0x6];
	[sflag:s17] =	ssyncadd.s32 $0xFFFFFCE0  }
0x7c: {  	[hbm4b:s24+s2] =	stream.linear.scatter [tilespmem:s16], [sflag:$0x3], $0xC800, $0x38;
	[tilespmem:$0x19740] =	vst v63  }
0x7d: {  	s26 =	rddreg [dreg:$0x7]  }
0x7e: {  	[tilespmem:s2], [sflag:$0x1] =	stream.linear.gather [hbm4b:s26+s2], $0x320, $0x38;
	[tilespmem:$0x19740] =	vst v63  }
0x7f: {  	_ =	swait.ge [sflag:s14], $0x320  }
0x80: {  	[sflag:s14] =	ssyncset.done $0x0  }
0x81: {  	s24 =	rddreg [dreg:$0x8];
	[sflag:s14] =	ssyncadd.s32 $0xFFFFFCE0  }
0x82: {  	[hbm4b:s24+s2] =	stream.linear.scatter [tilespmem:s13], [sflag:$0x4], $0xC800, $0x38;
	[tilespmem:$0x19740] =	vst v63  }
0x83: {  	s26 =	rddreg [dreg:$0x9]  }
0x84: {  	[tilespmem:s18], [sflag:$0x2] =	stream.linear.gather [hbm4b:s26+s2], $0x320, $0x38;
	[tilespmem:$0x19740] =	vst v63  }
0x85: {  	_ =	swait.ge [sflag:s17], $0x320  }
0x86: {  	[sflag:s17] =	ssyncset.done $0x0  }
0x87: {  	[sflag:s17] =	ssyncadd.s32 $0xFFFFFCE0  }
0x88: {  	_ =	swait.ge [sflag:s6], $0xC800  }
0x89: {  	[sflag:s6] =	ssyncset.done $0x0  }
0x8a: {  	s26 =	rddreg [dreg:$0xa];
	[sflag:s6] =	ssyncadd.s32 $0xFFFF3800  }
0x8b: {  	[hbm4b:s26+s2] =	stream.linear.scatter [tilespmem:s16], [sflag:$0x3], $0xC800, $0x38;
	[tilespmem:$0x19740] =	vst v63  }
0x8c: {  	_ = 	snop  }
0x8d: {  	[tilespmem:s2], [sflag:$0x1] =	stream.linear.gather [hbm4b:s15+s2], $0x320, $0x38;
	[tilespmem:$0x19740] =	vst v63  }
0x8e: {  	_ =	swait.ge [sflag:s14], $0x320  }
0x8f: {  	[sflag:s14] =	ssyncset.done $0x0  }
0x90: {  	[sflag:s14] =	ssyncadd.s32 $0xFFFFFCE0  }
0x91: {  	_ =	swait.ge [sflag:s4], $0xC800  }
0x92: {  	[sflag:s4] =	ssyncset.done $0x0  }
0x93: {  	[sflag:s4] =	ssyncadd.s32 $0xFFFF3800  }
0x94: {  	[hbm4b:s11+s2] =	stream.linear.scatter [tilespmem:s13], [sflag:$0x4], $0xC800, $0x38;
	[tilespmem:$0x19740] =	vst v63  }
0x95: {  	_ = 	snop  }
0x96: {  	[tilespmem:s18], [sflag:$0x2] =	stream.linear.gather [hbm4b:s12+s2], $0x320, $0x38;
	[tilespmem:$0x19740] =	vst v63  }
0x97: {  	_ =	swait.ge [sflag:s17], $0x320  }
0x98: {  	[sflag:s17] =	ssyncset.done $0x0  }
0x99: {  	[sflag:s17] =	ssyncadd.s32 $0xFFFFFCE0  }
0x9a: {  	_ =	swait.ge [sflag:s6], $0xC800  }
0x9b: {  	[sflag:s6] =	ssyncset.done $0x0  }
0x9c: {  	[sflag:s6] =	ssyncadd.s32 $0xFFFF3800  }
0x9d: {  	[hbm4b:s9+s2] =	stream.linear.scatter [tilespmem:s16], [sflag:$0x3], $0xC800, $0x38;
	[tilespmem:$0x19740] =	vst v63  }
0x9e: {  	_ = 	snop  }
0x9f: {  	[tilespmem:s2], [sflag:$0x1] =	stream.linear.gather [hbm4b:s10+s2], $0x320, $0x38;
	[tilespmem:$0x19740] =	vst v63  }
0xa0: {  	_ =	swait.ge [sflag:s14], $0x320  }
0xa1: {  	[sflag:s14] =	ssyncset.done $0x0  }
0xa2: {  	[sflag:s14] =	ssyncadd.s32 $0xFFFFFCE0  }
0xa3: {  	_ =	swait.ge [sflag:s4], $0xC800  }
0xa4: {  	[sflag:s4] =	ssyncset.done $0x0  }
0xa5: {  	[sflag:s4] =	ssyncadd.s32 $0xFFFF3800  }
0xa6: {  	[hbm4b:s8+s2] =	stream.linear.scatter [tilespmem:s13], [sflag:$0x4], $0xC800, $0x38;
	[tilespmem:$0x19740] =	vst v63  }
0xa7: {  	_ =	swait.ge @p0 [sflag:s21], $0x320  }
0xa8: {  	[sflag:s21] =	ssyncset.done @p0 $0x0  }
0xa9: {  	[sflag:s21] =	ssyncadd.s32 @p0 $0xFFFFFCE0  }
0xaa: {  	_ =	swait.ge @p0 [sflag:s22], $0xC800  }
0xab: {  	[sflag:s22] =	ssyncset.done @p0 $0x0  }
0xac: {  	s23 =	simm.s32 @p0 $0x0;
	s26 =	simm.s32 @p0 $0x740;
	[sflag:s22] =	ssyncadd.s32 @p0 $0xFFFF3800  }
0xad: {  	[hbm4b:s5+s23] =	stream.linear.scatter @p0 [tilespmem:s26], [sflag:$0x3], $0xC800, $0x38;
	[tilespmem:$0x19740] =	vst v63  }
0xae: {  	s23 =	simm.s32 @!p0 $0x320  }
0xaf: {  	[tilespmem:s23], [sflag:$0x2] =	stream.linear.gather @!p0 [hbm4b:s7+s25], $0x320, $0x38;
	[tilespmem:$0x19740] =	vst v63  }
0xb0: {  	_ =	swait.ge @!p0 [sflag:s28], $0x320  }
0xb1: {  	[sflag:s28] =	ssyncset.done @!p0 $0x0  }
0xb2: {  	[sflag:s28] =	ssyncadd.s32 @!p0 $0xFFFFFCE0  }
0xb3: {  	_ =	swait.ge @!p0 [sflag:s29], $0xC800  }
0xb4: {  	[sflag:s29] =	ssyncset.done @!p0 $0x0  }
0xb5: {  	[sflag:s29] =	ssyncadd.s32 @!p0 $0xFFFF3800  }
0xb6: {  	[hbm4b:s5+s25] =	stream.linear.scatter @!p0 [tilespmem:s30], [sflag:$0x3], $0xC800, $0x38;
	[tilespmem:$0x19740] =	vst v63  }
0xb7: {  	_ =	swait.ge @!p0 [sflag:s31], $0x320  }
0xb8: {  	[sflag:s31] =	ssyncset.done @!p0 $0x0  }
0xb9: {  	[sflag:s31] =	ssyncadd.s32 @!p0 $0xFFFFFCE0  }
0xba: {  	_ =	swait.ge @!p0 [sflag:s0], $0xC800  }
0xbb: {  	s20 =	sadd.s32 $0xFFFFFFFF, s20;
	[sflag:s0] =	ssyncset.done @!p0 $0x0  }
0xbc: {  	p2 =	sne.s32 s20, $0x0;
	[sflag:s0] =	ssyncadd.s32 @!p0 $0xFFFF3800  }
0xbd: {  	[hbm4b:s3+s25] =	stream.linear.scatter @!p0 [tilespmem:s1], [sflag:$0x4], $0xC800, $0x38;
	[tilespmem:$0x19740] =	vst v63  }
.Ltmp2:
0xbe: {  	_ =	swait.ge [sflag:s6], $0xC800;
	(pc) =	sbr.rel @p2 .LBB2_3-.Ltmp2, $4  }
0xbf: {  	[sflag:s6] =	ssyncset.done $0x0  }
0xc0: {  	[sflag:s6] =	ssyncadd.s32 $0xFFFF3800  }
0xc1: {  	_ =	swait.ge [sflag:s4], $0xC800  }
0xc2: {  	s24 =	simm.s32 $0x640;
	s23 =	rddreg [dreg:$0x3];
	[sflag:s4] =	ssyncset.done $0x0  }
0xc3: {  	s21 =	rddreg [dreg:$0x2];
	s22 =	stileid.u32  }
.LBB2_5:
0xc4: {  	[sflag:s4] =	ssyncadd.s32 @p1 $0xFFFF3800  }
0xc5: {  	[tilespmem:s24], [sflag:$0x5] =	stream.linear.gather [hbm4b:s23+s2], $0x100, $0x38;
	[tilespmem:$0x19740] =	vst v63  }
0xc6: {  	_ =	swait.ge [sflag:s19], $0x100  }
0xc7: {  	[sflag:s19] =	ssyncset.done $0x0  }
0xc8: {  	s0 =	rddreg [dreg:$0x4];
	[sflag:s19] =	ssyncadd.s32 $0xFFFFFF00  }
0xc9: {  	[tilespmem:s2], [sflag:$0x1] =	stream.linear.gather [hbm4b:s0+s2], $0x320, $0x38;
	[tilespmem:$0x19740] =	vst v63  }
0xca: {  	s1 =	rddreg [dreg:$0x5]  }
0xcb: {  	[tilespmem:s18], [sflag:$0x2] =	stream.linear.gather [hbm4b:s1+s2], $0x320, $0x38;
	[tilespmem:$0x19740] =	vst v63  }
0xcc: {  	_ =	swait.ge [sflag:s17], $0x320  }
0xcd: {  	[sflag:s17] =	ssyncset.done $0x0  }
0xce: {  	s26 =	rddreg [dreg:$0x6];
	[sflag:s17] =	ssyncadd.s32 $0xFFFFFCE0  }
0xcf: {  	[hbm4b:s26+s2] =	stream.linear.scatter [tilespmem:s16], [sflag:$0x3], $0xC800, $0x38;
	[tilespmem:$0x19740] =	vst v63  }
0xd0: {  	s28 =	rddreg [dreg:$0x7]  }
0xd1: {  	[tilespmem:s2], [sflag:$0x1] =	stream.linear.gather [hbm4b:s28+s2], $0x320, $0x38;
	[tilespmem:$0x19740] =	vst v63  }
0xd2: {  	_ =	swait.ge [sflag:s14], $0x320  }
0xd3: {  	[sflag:s14] =	ssyncset.done $0x0  }
0xd4: {  	s29 =	rddreg [dreg:$0x8];
	[sflag:s14] =	ssyncadd.s32 $0xFFFFFCE0  }
0xd5: {  	[hbm4b:s29+s2] =	stream.linear.scatter [tilespmem:s13], [sflag:$0x4], $0xC800, $0x38;
	[tilespmem:$0x19740] =	vst v63  }
0xd6: {  	s30 =	rddreg [dreg:$0x9]  }
0xd7: {  	[tilespmem:s18], [sflag:$0x2] =	stream.linear.gather [hbm4b:s30+s2], $0x320, $0x38;
	[tilespmem:$0x19740] =	vst v63  }
0xd8: {  	_ =	swait.ge [sflag:s17], $0x320  }
0xd9: {  	[sflag:s17] =	ssyncset.done $0x0  }
0xda: {  	[sflag:s17] =	ssyncadd.s32 $0xFFFFFCE0  }
0xdb: {  	_ =	swait.ge [sflag:s6], $0xC800  }
0xdc: {  	[sflag:s6] =	ssyncset.done $0x0  }
0xdd: {  	s31 =	rddreg [dreg:$0xa];
	[sflag:s6] =	ssyncadd.s32 $0xFFFF3800  }
0xde: {  	[hbm4b:s31+s2] =	stream.linear.scatter [tilespmem:s16], [sflag:$0x3], $0xC800, $0x38;
	[tilespmem:$0x19740] =	vst v63  }
0xdf: {  	_ = 	snop  }
0xe0: {  	[tilespmem:s2], [sflag:$0x1] =	stream.linear.gather [hbm4b:s15+s2], $0x320, $0x38;
	[tilespmem:$0x19740] =	vst v63  }
0xe1: {  	_ =	swait.ge [sflag:s14], $0x320  }
0xe2: {  	[sflag:s14] =	ssyncset.done $0x0  }
0xe3: {  	[sflag:s14] =	ssyncadd.s32 $0xFFFFFCE0  }
0xe4: {  	_ =	swait.ge [sflag:s4], $0xC800  }
0xe5: {  	[sflag:s4] =	ssyncset.done $0x0  }
0xe6: {  	[sflag:s4] =	ssyncadd.s32 $0xFFFF3800  }
0xe7: {  	[hbm4b:s11+s2] =	stream.linear.scatter [tilespmem:s13], [sflag:$0x4], $0xC800, $0x38;
	[tilespmem:$0x19740] =	vst v63  }
0xe8: {  	_ = 	snop  }
0xe9: {  	[tilespmem:s18], [sflag:$0x2] =	stream.linear.gather [hbm4b:s12+s2], $0x320, $0x38;
	[tilespmem:$0x19740] =	vst v63  }
0xea: {  	_ =	swait.ge [sflag:s17], $0x320  }
0xeb: {  	[sflag:s17] =	ssyncset.done $0x0  }
0xec: {  	[sflag:s17] =	ssyncadd.s32 $0xFFFFFCE0  }
0xed: {  	_ =	swait.ge [sflag:s6], $0xC800  }
0xee: {  	[sflag:s6] =	ssyncset.done $0x0  }
0xef: {  	[sflag:s6] =	ssyncadd.s32 $0xFFFF3800  }
0xf0: {  	[hbm4b:s9+s2] =	stream.linear.scatter [tilespmem:s16], [sflag:$0x3], $0xC800, $0x38;
	[tilespmem:$0x19740] =	vst v63  }
0xf1: {  	_ = 	snop  }
0xf2: {  	[tilespmem:s2], [sflag:$0x1] =	stream.linear.gather [hbm4b:s10+s2], $0x320, $0x38;
	[tilespmem:$0x19740] =	vst v63  }
0xf3: {  	_ =	swait.ge [sflag:s14], $0x320  }
0xf4: {  	[sflag:s14] =	ssyncset.done $0x0  }
0xf5: {  	[sflag:s14] =	ssyncadd.s32 $0xFFFFFCE0  }
0xf6: {  	_ =	swait.ge [sflag:s4], $0xC800  }
0xf7: {  	[sflag:s4] =	ssyncset.done $0x0  }
0xf8: {  	s0 =	simm.s32 @p0 $0x1;
	[sflag:s4] =	ssyncadd.s32 $0xFFFF3800  }
0xf9: {  	[hbm4b:s8+s2] =	stream.linear.scatter [tilespmem:s13], [sflag:$0x4], $0xC800, $0x38;
	[tilespmem:$0x19740] =	vst v63  }
0xfa: {  	_ =	swait.ge @p0 [sflag:s0], $0x320  }
0xfb: {  	[sflag:s0] =	ssyncset.done @p0 $0x0  }
0xfc: {  	[sflag:s0] =	ssyncadd.s32 @p0 $0xFFFFFCE0;
	s0 =	simm.s32 @p0 $0x3  }
0xfd: {  	_ =	swait.ge @p0 [sflag:s0], $0xC800  }
0xfe: {  	[sflag:s0] =	ssyncset.done @p0 $0x0  }
0xff: {  	s1 =	simm.s32 @p0 $0x740;
	[sflag:s0] =	ssyncadd.s32 @p0 $0xFFFF3800;
	s0 =	simm.s32 @p0 $0x0  }
0x100: {  	[hbm4b:s5+s0] =	stream.linear.scatter @p0 [tilespmem:s1], [sflag:$0x3], $0xC800, $0x38;
	[tilespmem:$0x19740] =	vst v63  }
0x101: {  	s2 =	simm.s32 @!p0 $0x1;
	s0 =	simm.s32 @!p0 $0x0;
	s1 =	simm.s32 @!p0 $0x320  }
0x102: {  	[tilespmem:s1], [sflag:$0x2] =	stream.linear.gather @!p0 [hbm4b:s7+s0], $0x320, $0x38;
	[tilespmem:$0x19740] =	vst v63  }
0x103: {  	_ =	swait.ge @!p0 [sflag:s2], $0x320  }
0x104: {  	[sflag:s2] =	ssyncset.done @!p0 $0x0  }
0x105: {  	s1 =	simm.s32 @!p0 $0x3;
	[sflag:s2] =	ssyncadd.s32 @!p0 $0xFFFFFCE0  }
0x106: {  	_ =	swait.ge @!p0 [sflag:s1], $0xC800  }
0x107: {  	[sflag:s1] =	ssyncset.done @!p0 $0x0  }
0x108: {  	s2 =	simm.s32 @!p0 $0x2;
	[sflag:s1] =	ssyncadd.s32 @!p0 $0xFFFF3800;
	s1 =	simm.s32 @!p0 $0x740  }
0x109: {  	[hbm4b:s5+s0] =	stream.linear.scatter @!p0 [tilespmem:s1], [sflag:$0x3], $0xC800, $0x38;
	[tilespmem:$0x19740] =	vst v63  }
0x10a: {  	_ =	swait.ge @!p0 [sflag:s2], $0x320  }
0x10b: {  	[sflag:s2] =	ssyncset.done @!p0 $0x0  }
0x10c: {  	s1 =	simm.s32 @!p0 $0x4;
	[sflag:s2] =	ssyncadd.s32 @!p0 $0xFFFFFCE0  }
0x10d: {  	_ =	swait.ge @!p0 [sflag:s1], $0xC800  }
0x10e: {  	[sflag:s1] =	ssyncset.done @!p0 $0x0  }
0x10f: {  	[sflag:s1] =	ssyncadd.s32 @!p0 $0xFFFF3800;
	s1 =	simm.s32 @!p0 $0xCF40  }
0x110: {  	[hbm4b:s3+s0] =	stream.linear.scatter @!p0 [tilespmem:s1], [sflag:$0x4], $0xC800, $0x38;
	[tilespmem:$0x19740] =	vst v63  }
0x111: {  	_ =	swait.ge [sflag:s6], $0xC800  }
0x112: {  	[sflag:s6] =	ssyncset.done $0x0  }
0x113: {  	[sflag:s6] =	ssyncadd.s32 $0xFFFF3800  }
0x114: {  	_ =	swait.ge [sflag:s4], $0xC800  }
0x115: {  	[sflag:s4] =	ssyncset.done $0x0  }
0x116: {  	[sflag:s4] =	ssyncadd.s32 $0xFFFF3800  }
0x117: {  	_ =	sfence.sel $0x180000  }
0x118: {  	[bflag:$0x0] =	sbarrier.arrive $0xFFFF  }
0x119: {  	p0 =	sne.s32 s22, $0x0;
	_ =	strace $0x90000047  }
0x11a: {  	s0 =	sadd.s32 @!p0 $0x100000, s21;
	[bflag:$0x2] =	sbarrier.arrive $0xFFFF  }
0x11b: {  	[sflag:s0] =	ssyncadd.tile.s32 @!p0 $0x1;
	_ =	shalt  }
.LBB2_2:
.Ltmp3:
0x11c: {  	(pc) =	sbr.rel .LBB2_5-.Ltmp3, $2  }
0x11d: {  	_ =	sdelay $0x2  }
0x11e: {  	s21 =	rddreg [dreg:$0x2];
	s22 =	stileid.u32  }
.Lfunc_end2:
_tile_overlayer_lowered:
.L_overlay_start_2:
0x11f: {  	(tag) =	ssettag $0x2  }
0x120: {  	s0 =	rddreg [dreg:$0x0];
	s2 =	stileid.u32  }
0x121: {  	s1 =	rddreg [dreg:$0x1];
	p0 =	sne.s32 s2, $0x0  }
0x122: {  	s3 =	rddreg [dreg:$0x2];
	[bflag:$0x3] =	sbarrier.arrive $0xFFFF;
	s2 =	simm.s32 @!p0 $0x1C05  }
0x123: {  	[timem:s3], [sflag:s2] =	dma.local @!p0 [hbm:s0], s1  }
0x124: {  	s0 =	simm.s32 @!p0 $0x5  }
0x125: {  	_ =	swait.ge @!p0 [sflag:s0], s1  }
0x126: {  	s1 =	ssub.s32 @!p0 $0x0, s1;
	[sflag:s0] =	ssyncset.done @!p0 $0x0  }
0x127: {  	[sflag:s0] =	ssyncadd.s32 @!p0 s1  }
0x128: {  	[bflag:$0x3] =	sbarrier.arrive $0xFFFF  }
0x129: {  	_ =	shalt  }

</sc_bundles>
